<compile_context>
chip_gen: v7x
topology: tpu7x:2x2x1
jax: 0.10.2.dev20260603
libtpu: 0.0.44.dev20260713+nightly
codegen_flags: <defaults>
</compile_context>

<pallas_src>
import functools

import jax
import jax.numpy as jnp
from jax import lax
from jax.experimental import pallas as pl
from jax.experimental.pallas import tpu as pltpu
from jax.experimental.pallas import tpu_sc as plsc

N = 10000
D = 128
H = 2
E = 320000

NC = 2
NS = 16
NW = NC * NS
EP = E // NW
ECHUNKS = EP // 16
NP = 10112

_MESH = plsc.VectorSubcoreMesh(
    core_axis_name="c", subcore_axis_name="s", num_cores=NC, num_subcores=NS
)
_SC_PARAMS = pltpu.CompilerParams(needs_layout_passes=False)


EDEG = E // NS
NR = NP // 128


@functools.partial(
    pl.kernel,
    out_type=(
        jax.ShapeDtypeStruct((H * NW, NP), jnp.float32),
        jax.ShapeDtypeStruct((NC, NR, 128), jnp.float32),
    ),
    mesh=_MESH,
    compiler_params=_SC_PARAMS,
    scratch_types=[
        pltpu.VMEM((EP,), jnp.int32),
        pltpu.VMEM((EP,), jnp.int32),
        pltpu.VMEM((EDEG,), jnp.int32),
        pltpu.VMEM((H * NP,), jnp.float32),
        pltpu.VMEM((H * NP,), jnp.float32),
        pltpu.VMEM((NR, 128), jnp.float32),
        pltpu.VMEM((NR,), jnp.int32),
        pltpu.VMEM_SHARED((NR, 128), jnp.float32),
    ],
)
def _sc_scatter1(
    h1_hbm, src_hbm, dst_hbm, z_hbm, z2_hbm, riota_hbm, out_hbm, dinv_hbm,
    src_v, dst_v, dstd_v, u_v, acc_v, deg_v, ridx_v, shared,
):
    c = lax.axis_index("c")
    s = lax.axis_index("s")
    wid = s * NC + c
    base = wid * EP
    pltpu.sync_copy(src_hbm.at[pl.ds(base, EP)], src_v)
    pltpu.sync_copy(dst_hbm.at[pl.ds(base, EP)], dst_v)
    pltpu.sync_copy(dst_hbm.at[pl.ds(s * EDEG, EDEG)], dstd_v)
    pltpu.sync_copy(h1_hbm, u_v)
    pltpu.sync_copy(z_hbm, acc_v)
    pltpu.sync_copy(z2_hbm, deg_v)
    pltpu.sync_copy(riota_hbm, ridx_v)

    ones16 = jnp.ones((16,), jnp.float32)

    @plsc.parallel_loop(0, EDEG // 16, unroll=8)
    def dbody(i):
        dv = dstd_v[pl.ds(i * 16, 16)]
        plsc.addupdate_scatter(deg_v, [dv >> 7, dv & 127], ones16)

    @pl.when(s == 0)
    def _():
        pltpu.sync_copy(deg_v, shared)

    plsc.subcore_barrier()

    @pl.when(s != 0)
    def _():
        pltpu.sync_copy(deg_v, shared.at[ridx_v], add=True)

    plsc.subcore_barrier()
    pltpu.sync_copy(shared, deg_v)

    @plsc.parallel_loop(0, NP // 16, unroll=4)
    def nbody(i):
        r = i >> 3
        cb = (i & 7) * 16
        deg = deg_v[r, pl.ds(cb, 16)] + 1.0
        y = plsc.bitcast(0x5F3759DF - (plsc.bitcast(deg, jnp.int32) >> 1), jnp.float32)
        hd = 0.5 * deg
        y = y * (1.5 - hd * y * y)
        y = y * (1.5 - hd * y * y)
        y = y * (1.5 - hd * y * y)
        deg_v[r, pl.ds(cb, 16)] = y
        u_v[pl.ds(i * 16, 16)] = u_v[pl.ds(i * 16, 16)] * y
        u_v[pl.ds(NP + i * 16, 16)] = u_v[pl.ds(NP + i * 16, 16)] * y

    @plsc.parallel_loop(0, ECHUNKS, unroll=8)
    def ebody(i):
        sv = src_v[pl.ds(i * 16, 16)]
        dv = dst_v[pl.ds(i * 16, 16)]
        g0 = plsc.load_gather(u_v, [sv])
        g1 = plsc.load_gather(u_v, [sv + NP])
        plsc.addupdate_scatter(acc_v, [dv], g0)
        plsc.addupdate_scatter(acc_v, [dv + NP], g1)

    pltpu.sync_copy(acc_v.at[pl.ds(0, NP)], out_hbm.at[wid])
    pltpu.sync_copy(acc_v.at[pl.ds(NP, NP)], out_hbm.at[NW + wid])

    @pl.when(s == 0)
    def _():
        pltpu.sync_copy(deg_v, dinv_hbm.at[c])


@functools.partial(
    pl.kernel,
    out_type=jax.ShapeDtypeStruct((H * NW, NP), jnp.float32),
    mesh=_MESH,
    compiler_params=_SC_PARAMS,
    scratch_types=[
        pltpu.VMEM((EP,), jnp.int32),
        pltpu.VMEM((EP,), jnp.int32),
        pltpu.VMEM((H * NP,), jnp.float32),
        pltpu.VMEM((H * NP,), jnp.float32),
    ],
)
def _sc_scatter(u_hbm, src_hbm, dst_hbm, z_hbm, out_hbm, src_v, dst_v, u_v, acc_v):
    c = lax.axis_index("c")
    s = lax.axis_index("s")
    wid = s * NC + c
    base = wid * EP
    pltpu.sync_copy(src_hbm.at[pl.ds(base, EP)], src_v)
    pltpu.sync_copy(dst_hbm.at[pl.ds(base, EP)], dst_v)
    pltpu.sync_copy(u_hbm, u_v)
    pltpu.sync_copy(z_hbm, acc_v)

    @plsc.parallel_loop(0, ECHUNKS, unroll=8)
    def ebody(i):
        sv = src_v[pl.ds(i * 16, 16)]
        dv = dst_v[pl.ds(i * 16, 16)]
        g0 = plsc.load_gather(u_v, [sv])
        g1 = plsc.load_gather(u_v, [sv + NP])
        plsc.addupdate_scatter(acc_v, [dv], g0)
        plsc.addupdate_scatter(acc_v, [dv + NP], g1)

    pltpu.sync_copy(acc_v.at[pl.ds(0, NP)], out_hbm.at[wid])
    pltpu.sync_copy(acc_v.at[pl.ds(NP, NP)], out_hbm.at[NW + wid])




def _tc_a_body(x_ref, w1_ref, h1p_ref):
    h1t = lax.dot_general(
        w1_ref[...], x_ref[...], (((0,), (1,)), ((), ())),
        preferred_element_type=jnp.float32,
    )
    h1p_ref[:, :N] = h1t
    h1p_ref[:, N:] = jnp.zeros((H, NP - N), jnp.float32)


_tc_a = pl.pallas_call(
    _tc_a_body,
    out_shape=jax.ShapeDtypeStruct((H, NP), jnp.float32),
)


def _tc_b_body(s1p_ref, dinv_ref, h1p_ref, b1_ref, g_ref, bln_ref, u2p_ref):
    dinv = dinv_ref[...]
    s1_0 = jnp.sum(s1p_ref[0:NW], axis=0, keepdims=True)
    s1_1 = jnp.sum(s1p_ref[NW : 2 * NW], axis=0, keepdims=True)
    a1_0 = dinv * (s1_0 + dinv * h1p_ref[0:1]) + b1_ref[0]
    a1_1 = dinv * (s1_1 + dinv * h1p_ref[1:2]) + b1_ref[1]
    d = 0.5 * (a1_0 - a1_1)
    r = lax.rsqrt(d * d + 1e-5)
    z0 = d * r * g_ref[0] + bln_ref[0]
    z1 = -d * r * g_ref[1] + bln_ref[1]
    u2p_ref[0:1] = dinv * jnp.maximum(z0, 0.0)
    u2p_ref[1:2] = dinv * jnp.maximum(z1, 0.0)


_tc_b = pl.pallas_call(
    _tc_b_body,
    in_specs=[
        pl.BlockSpec(memory_space=pltpu.VMEM),
        pl.BlockSpec(memory_space=pltpu.VMEM),
        pl.BlockSpec(memory_space=pltpu.VMEM),
        pl.BlockSpec(memory_space=pltpu.SMEM),
        pl.BlockSpec(memory_space=pltpu.SMEM),
        pl.BlockSpec(memory_space=pltpu.SMEM),
    ],
    out_shape=jax.ShapeDtypeStruct((H, NP), jnp.float32),
)


def _tc_c_body(s2p_ref, dinv_ref, u2p_ref, w2_ref, b2_ref, sfp_ref, out_ref):
    dinv = dinv_ref[...]
    s2_0 = jnp.sum(s2p_ref[0:NW], axis=0, keepdims=True)
    s2_1 = jnp.sum(s2p_ref[NW : 2 * NW], axis=0, keepdims=True)
    sf = sfp_ref[...]
    a2_0 = sf * dinv * (s2_0 + u2p_ref[0:1])
    a2_1 = sf * dinv * (s2_1 + u2p_ref[1:2])
    lhs = jnp.concatenate(
        [a2_0, a2_1, sf, jnp.zeros((5, NP), jnp.float32)], axis=0
    )
    rhs = jnp.concatenate(
        [w2_ref[...], b2_ref[...].reshape(1, D), jnp.zeros((5, D), jnp.float32)],
        axis=0,
    )
    o = lax.dot_general(
        lhs, rhs, (((0,), (0,)), ((), ())), preferred_element_type=jnp.float32
    )
    out_ref[...] = jnp.maximum(o[:N], 0.0)


_tc_c = pl.pallas_call(
    _tc_c_body,
    out_shape=jax.ShapeDtypeStruct((N, D), jnp.float32),
)


def kernel(x, edge_index, size_factors, W1, b1, ln_g, ln_b, W2, b2):
    src = edge_index[0]
    dst = edge_index[1]

    zeros_hbm = jnp.zeros((H * NP,), jnp.float32)
    zeros2_hbm = jnp.zeros((NR, 128), jnp.float32)
    riota_hbm = jnp.arange(NR, dtype=jnp.int32)
    h1p = _tc_a(x, W1)
    s1p, dinv2 = _sc_scatter1(
        h1p.reshape(H * NP), src, dst, zeros_hbm, zeros2_hbm, riota_hbm
    )
    dinvp = dinv2.reshape(NC, NP)[0:1]
    u2p = _tc_b(s1p, dinvp, h1p, b1, ln_g, ln_b)
    s2p = _sc_scatter(u2p.reshape(H * NP), src, dst, zeros_hbm)
    sfp = jnp.pad(size_factors.T, ((0, 0), (0, NP - N)))
    out = _tc_c(s2p, dinvp, u2p, W2, b2, sfp)
    return out

# --- scband reference (transcript-rebuilt; emitter-appended) ---
"""Pipeline reference for scband-gae-17755394801760 (READ-ONLY COPY).

The authoritative reference and input builder live on the scoring server;
editing this copy changes nothing except your own understanding.
"""

import jax, jax.numpy as jnp
import numpy as np

N = 10000
D = 128
H = D // 64  # 2
E = 320000


def _gcn(x, src, dst, W, b, n):
    # torch_geometric GCNConv: linear -> add self loops -> sym-normalized scatter-add -> bias
    h = x @ W
    loop = jnp.arange(n, dtype=src.dtype)
    s = jnp.concatenate([src, loop])
    d = jnp.concatenate([dst, loop])
    deg = jax.ops.segment_sum(jnp.ones(s.shape[0], dtype=h.dtype), d, num_segments=n)
    dinv = jnp.where(deg > 0, deg ** -0.5, 0.0)
    norm = dinv[s] * dinv[d]
    msg = h[s] * norm[:, None]
    out = jax.ops.segment_sum(msg, d, num_segments=n)
    return out + b


def _layernorm(x, g, b, eps=1e-5):
    mu = jnp.mean(x, axis=-1, keepdims=True)
    var = jnp.mean((x - mu) ** 2, axis=-1, keepdims=True)
    return (x - mu) / jnp.sqrt(var + eps) * g + b


def setup_inputs(seed: int = 0):
    key = jax.random.key(seed)
    ks = jax.random.split(key, 6)
    x = jax.random.normal(ks[0], (N, D), dtype=jnp.float32)
    edge_index = jax.random.randint(ks[1], (2, E), 0, N, dtype=jnp.int32)
    size_factors = jax.random.uniform(ks[2], (N, 1), dtype=jnp.float32)
    W1 = jax.random.normal(ks[3], (D, H), dtype=jnp.float32) * (1.0 / np.sqrt(D))
    b1 = jnp.zeros((H,), dtype=jnp.float32)
    ln_g = jnp.ones((H,), dtype=jnp.float32)
    ln_b = jnp.zeros((H,), dtype=jnp.float32)
    W2 = jax.random.normal(ks[4], (H, D), dtype=jnp.float32) * (1.0 / np.sqrt(H))
    b2 = jnp.zeros((D,), dtype=jnp.float32)
    return {"x": x, "edge_index": edge_index, "size_factors": size_factors,
            "W1": W1, "b1": b1, "ln_g": ln_g, "ln_b": ln_b, "W2": W2, "b2": b2}


def reference(x, edge_index, size_factors, W1, b1, ln_g, ln_b, W2, b2):
    src, dst = edge_index[0], edge_index[1]
    n = x.shape[0]
    h = _gcn(x, src, dst, W1, b1, n)
    h = jax.nn.relu(_layernorm(h, ln_g, ln_b))
    # dropout p=0.0 is identity
    h = _gcn(h, src, dst, W2, b2, n)
    h = jax.nn.relu(h)
    return h * size_factors

if __name__ == "__main__":
    import jax
    _d = setup_inputs()
    print(jax.jit(kernel)(*tuple(_d.values())))

</pallas_src>

<mosaic_0001>
#map = affine_map<(d0, d1) -> (0)>
#map1 = affine_map<(d0, d1) -> (0, 0)>
module attributes {stable_mosaic.version = 14 : i64} {
  func.func @_sc_scatter(%arg0: i32, %arg1: i32, %arg2: memref<20224xf32, #tpu.memory_space<hbm>>, %arg3: memref<320000xi32, #tpu.memory_space<hbm>>, %arg4: memref<320000xi32, #tpu.memory_space<hbm>>, %arg5: memref<20224xf32, #tpu.memory_space<hbm>>, %arg6: memref<64x10112xf32, #tpu.memory_space<hbm>>, %arg7: memref<10000xi32, #tpu.memory_space<vmem>>, %arg8: memref<10000xi32, #tpu.memory_space<vmem>>, %arg9: memref<20224xf32, #tpu.memory_space<vmem>>, %arg10: memref<20224xf32, #tpu.memory_space<vmem>>) attributes {dimension_semantics = [#tpu.dimension_semantics<core_parallel>, #tpu.dimension_semantics<subcore_parallel>], iteration_bounds = array<i64: 2, 16>, scalar_prefetch = 0 : i64, scratch_operands = 4 : i64, tpu.core_type = #tpu.core_type<sc_vector_subcore>, window_params = [{transform_indices = #map}, {transform_indices = #map}, {transform_indices = #map}, {transform_indices = #map}, {transform_indices = #map1}]} {
    %mul3A = arith.constant 2 : i32
    %mul3A_0 = arith.muli %arg1, %mul3A : i32
    %add3A = arith.addi %mul3A_0, %arg0 : i32
    %mul3A_1 = arith.constant 10000 : i32
    %mul3A_2 = arith.muli %add3A, %mul3A_1 : i32
    "tpu.region"() ({
      %run_scoped3A = tpu.sem_alloc : memref<!tpu.dma_semaphore, #tpu.memory_space<semaphore_mem>>
      %dma_start3A = tpu.memref_slice %arg3[%mul3A_2] : memref<320000xi32, #tpu.memory_space<hbm>> -> memref<10000xi32, #tpu.memory_space<hbm>>
      %dma_start3A_7 = tpu.memref_slice %arg3[%mul3A_2] : memref<320000xi32, #tpu.memory_space<hbm>> -> memref<10000xi32, #tpu.memory_space<hbm>>
      tpu.enqueue_dma source(%dma_start3A_7 : memref<10000xi32, #tpu.memory_space<hbm>>) target(%arg7 : memref<10000xi32, #tpu.memory_space<vmem>>) target_semaphore(%run_scoped3A : memref<!tpu.dma_semaphore, #tpu.memory_space<semaphore_mem>>)
      %dma_wait3A = tpu.memref_slice %arg3[%mul3A_2] : memref<320000xi32, #tpu.memory_space<hbm>> -> memref<10000xi32, #tpu.memory_space<hbm>>
      %dma_wait3A_8 = tpu.memref_slice %arg3[%mul3A_2] : memref<320000xi32, #tpu.memory_space<hbm>> -> memref<10000xi32, #tpu.memory_space<hbm>>
      tpu.wait_dma2 semaphore(%run_scoped3A : memref<!tpu.dma_semaphore, #tpu.memory_space<semaphore_mem>>) src(%dma_wait3A_8 : memref<10000xi32, #tpu.memory_space<hbm>>) dst(%arg7 : memref<10000xi32, #tpu.memory_space<vmem>>)
      tpu.yield
    }) : () -> ()
    "tpu.region"() ({
      %run_scoped3A = tpu.sem_alloc : memref<!tpu.dma_semaphore, #tpu.memory_space<semaphore_mem>>
      %dma_start3A = tpu.memref_slice %arg4[%mul3A_2] : memref<320000xi32, #tpu.memory_space<hbm>> -> memref<10000xi32, #tpu.memory_space<hbm>>
      %dma_start3A_7 = tpu.memref_slice %arg4[%mul3A_2] : memref<320000xi32, #tpu.memory_space<hbm>> -> memref<10000xi32, #tpu.memory_space<hbm>>
      tpu.enqueue_dma source(%dma_start3A_7 : memref<10000xi32, #tpu.memory_space<hbm>>) target(%arg8 : memref<10000xi32, #tpu.memory_space<vmem>>) target_semaphore(%run_scoped3A : memref<!tpu.dma_semaphore, #tpu.memory_space<semaphore_mem>>)
      %dma_wait3A = tpu.memref_slice %arg4[%mul3A_2] : memref<320000xi32, #tpu.memory_space<hbm>> -> memref<10000xi32, #tpu.memory_space<hbm>>
      %dma_wait3A_8 = tpu.memref_slice %arg4[%mul3A_2] : memref<320000xi32, #tpu.memory_space<hbm>> -> memref<10000xi32, #tpu.memory_space<hbm>>
      tpu.wait_dma2 semaphore(%run_scoped3A : memref<!tpu.dma_semaphore, #tpu.memory_space<semaphore_mem>>) src(%dma_wait3A_8 : memref<10000xi32, #tpu.memory_space<hbm>>) dst(%arg8 : memref<10000xi32, #tpu.memory_space<vmem>>)
      tpu.yield
    }) : () -> ()
    "tpu.region"() ({
      %run_scoped3A = tpu.sem_alloc : memref<!tpu.dma_semaphore, #tpu.memory_space<semaphore_mem>>
      tpu.enqueue_dma source(%arg2 : memref<20224xf32, #tpu.memory_space<hbm>>) target(%arg9 : memref<20224xf32, #tpu.memory_space<vmem>>) target_semaphore(%run_scoped3A : memref<!tpu.dma_semaphore, #tpu.memory_space<semaphore_mem>>)
      tpu.wait_dma2 semaphore(%run_scoped3A : memref<!tpu.dma_semaphore, #tpu.memory_space<semaphore_mem>>) src(%arg2 : memref<20224xf32, #tpu.memory_space<hbm>>) dst(%arg9 : memref<20224xf32, #tpu.memory_space<vmem>>)
      tpu.yield
    }) : () -> ()
    "tpu.region"() ({
      %run_scoped3A = tpu.sem_alloc : memref<!tpu.dma_semaphore, #tpu.memory_space<semaphore_mem>>
      tpu.enqueue_dma source(%arg5 : memref<20224xf32, #tpu.memory_space<hbm>>) target(%arg10 : memref<20224xf32, #tpu.memory_space<vmem>>) target_semaphore(%run_scoped3A : memref<!tpu.dma_semaphore, #tpu.memory_space<semaphore_mem>>)
      tpu.wait_dma2 semaphore(%run_scoped3A : memref<!tpu.dma_semaphore, #tpu.memory_space<semaphore_mem>>) src(%arg5 : memref<20224xf32, #tpu.memory_space<hbm>>) dst(%arg10 : memref<20224xf32, #tpu.memory_space<vmem>>)
      tpu.yield
    }) : () -> ()
    %parallel_loop3A = arith.constant 0 : i32
    %parallel_loop3A_3 = arith.constant 625 : i32
    %parallel_loop3A_4 = arith.constant 1 : i32
    scf.for %parallel_loop3A_7 = %parallel_loop3A to %parallel_loop3A_3 step %parallel_loop3A_4  : i32 {
      %parallel_loop3A_8 = arith.constant 16 : i32
      %parallel_loop3A_9 = arith.muli %parallel_loop3A_7, %parallel_loop3A_8 : i32
      %parallel_loop3A_10 = arith.index_cast %parallel_loop3A_9 : i32 to index
      %parallel_loop3A_11 = tpu.vector_load %arg7[%parallel_loop3A_10] {strides = array<i32>} : memref<10000xi32, #tpu.memory_space<vmem>>, vector<16xi32>,
      %parallel_loop3A_12 = arith.constant 16 : i32
      %parallel_loop3A_13 = arith.muli %parallel_loop3A_7, %parallel_loop3A_12 : i32
      %parallel_loop3A_14 = arith.index_cast %parallel_loop3A_13 : i32 to index
      %parallel_loop3A_15 = tpu.vector_load %arg8[%parallel_loop3A_14] {strides = array<i32>} : memref<10000xi32, #tpu.memory_space<vmem>>, vector<16xi32>,
      %parallel_loop3A_16 = tpu.vector_load_idx %arg9[%parallel_loop3A_11] : memref<20224xf32, #tpu.memory_space<vmem>>[vector<16xi32>], vector<16xf32>,
      %parallel_loop3A_17 = arith.constant 10112 : i32
      %parallel_loop3A_18 = vector.broadcast %parallel_loop3A_17 : i32 to vector<16xi32>
      %parallel_loop3A_19 = arith.addi %parallel_loop3A_11, %parallel_loop3A_18 : vector<16xi32>
      %parallel_loop3A_20 = tpu.vector_load_idx %arg9[%parallel_loop3A_19] : memref<20224xf32, #tpu.memory_space<vmem>>[vector<16xi32>], vector<16xf32>,
      tpu.vector_store_idx %arg10[%parallel_loop3A_15], %parallel_loop3A_16 {add = true} : memref<20224xf32, #tpu.memory_space<vmem>>[vector<16xi32>], vector<16xf32>,
      %parallel_loop3A_21 = arith.constant 10112 : i32
      %parallel_loop3A_22 = vector.broadcast %parallel_loop3A_21 : i32 to vector<16xi32>
      %parallel_loop3A_23 = arith.addi %parallel_loop3A_15, %parallel_loop3A_22 : vector<16xi32>
      tpu.vector_store_idx %arg10[%parallel_loop3A_23], %parallel_loop3A_20 {add = true} : memref<20224xf32, #tpu.memory_space<vmem>>[vector<16xi32>], vector<16xf32>,
    } {sc.loop_unroll_factor = 8 : i64, sc.parallel_access}
    "tpu.region"() ({
      %run_scoped3A = tpu.sem_alloc : memref<!tpu.dma_semaphore, #tpu.memory_space<semaphore_mem>>
      %dma_start3A = arith.constant 0 : i32
      %dma_start3A_7 = tpu.memref_slice %arg10[%dma_start3A] : memref<20224xf32, #tpu.memory_space<vmem>> -> memref<10112xf32, #tpu.memory_space<vmem>>
      %dma_start3A_8 = arith.constant 0 : i32
      %dma_start3A_9 = tpu.memref_slice %arg6[%add3A, %dma_start3A_8] : memref<64x10112xf32, #tpu.memory_space<hbm>> -> memref<1x10112xf32, #tpu.memory_space<hbm>>
      %dma_start3A_10 = tpu.memref_squeeze %dma_start3A_9 : memref<1x10112xf32, #tpu.memory_space<hbm>> -> memref<10112xf32, #tpu.memory_space<hbm>>
      %dma_start3A_11 = arith.constant 0 : i32
      %dma_start3A_12 = tpu.memref_slice %arg6[%add3A, %dma_start3A_11] : memref<64x10112xf32, #tpu.memory_space<hbm>> -> memref<1x10112xf32, #tpu.memory_space<hbm>>
      %dma_start3A_13 = tpu.memref_squeeze %dma_start3A_12 : memref<1x10112xf32, #tpu.memory_space<hbm>> -> memref<10112xf32, #tpu.memory_space<hbm>>
      %dma_start3A_14 = arith.constant 0 : i32
      %dma_start3A_15 = tpu.memref_slice %arg10[%dma_start3A_14] : memref<20224xf32, #tpu.memory_space<vmem>> -> memref<10112xf32, #tpu.memory_space<vmem>>
      tpu.enqueue_dma source(%dma_start3A_15 : memref<10112xf32, #tpu.memory_space<vmem>>) target(%dma_start3A_13 : memref<10112xf32, #tpu.memory_space<hbm>>) target_semaphore(%run_scoped3A : memref<!tpu.dma_semaphore, #tpu.memory_space<semaphore_mem>>)
      %dma_wait3A = arith.constant 0 : i32
      %dma_wait3A_16 = tpu.memref_slice %arg10[%dma_wait3A] : memref<20224xf32, #tpu.memory_space<vmem>> -> memref<10112xf32, #tpu.memory_space<vmem>>
      %dma_wait3A_17 = arith.constant 0 : i32
      %dma_wait3A_18 = tpu.memref_slice %arg6[%add3A, %dma_wait3A_17] : memref<64x10112xf32, #tpu.memory_space<hbm>> -> memref<1x10112xf32, #tpu.memory_space<hbm>>
      %dma_wait3A_19 = tpu.memref_squeeze %dma_wait3A_18 : memref<1x10112xf32, #tpu.memory_space<hbm>> -> memref<10112xf32, #tpu.memory_space<hbm>>
      %dma_wait3A_20 = arith.constant 0 : i32
      %dma_wait3A_21 = tpu.memref_slice %arg6[%add3A, %dma_wait3A_20] : memref<64x10112xf32, #tpu.memory_space<hbm>> -> memref<1x10112xf32, #tpu.memory_space<hbm>>
      %dma_wait3A_22 = tpu.memref_squeeze %dma_wait3A_21 : memref<1x10112xf32, #tpu.memory_space<hbm>> -> memref<10112xf32, #tpu.memory_space<hbm>>
      %dma_wait3A_23 = arith.constant 0 : i32
      %dma_wait3A_24 = tpu.memref_slice %arg10[%dma_wait3A_23] : memref<20224xf32, #tpu.memory_space<vmem>> -> memref<10112xf32, #tpu.memory_space<vmem>>
      tpu.wait_dma2 semaphore(%run_scoped3A : memref<!tpu.dma_semaphore, #tpu.memory_space<semaphore_mem>>) src(%dma_wait3A_24 : memref<10112xf32, #tpu.memory_space<vmem>>) dst(%dma_wait3A_22 : memref<10112xf32, #tpu.memory_space<hbm>>)
      tpu.yield
    }) : () -> ()
    %add3A_5 = arith.constant 32 : i32
    %add3A_6 = arith.addi %add3A_5, %add3A : i32
    "tpu.region"() ({
      %run_scoped3A = tpu.sem_alloc : memref<!tpu.dma_semaphore, #tpu.memory_space<semaphore_mem>>
      %dma_start3A = arith.constant 10112 : i32
      %dma_start3A_7 = tpu.memref_slice %arg10[%dma_start3A] : memref<20224xf32, #tpu.memory_space<vmem>> -> memref<10112xf32, #tpu.memory_space<vmem>>
      %dma_start3A_8 = arith.constant 0 : i32
      %dma_start3A_9 = tpu.memref_slice %arg6[%add3A_6, %dma_start3A_8] : memref<64x10112xf32, #tpu.memory_space<hbm>> -> memref<1x10112xf32, #tpu.memory_space<hbm>>
      %dma_start3A_10 = tpu.memref_squeeze %dma_start3A_9 : memref<1x10112xf32, #tpu.memory_space<hbm>> -> memref<10112xf32, #tpu.memory_space<hbm>>
      %dma_start3A_11 = arith.constant 0 : i32
      %dma_start3A_12 = tpu.memref_slice %arg6[%add3A_6, %dma_start3A_11] : memref<64x10112xf32, #tpu.memory_space<hbm>> -> memref<1x10112xf32, #tpu.memory_space<hbm>>
      %dma_start3A_13 = tpu.memref_squeeze %dma_start3A_12 : memref<1x10112xf32, #tpu.memory_space<hbm>> -> memref<10112xf32, #tpu.memory_space<hbm>>
      %dma_start3A_14 = arith.constant 10112 : i32
      %dma_start3A_15 = tpu.memref_slice %arg10[%dma_start3A_14] : memref<20224xf32, #tpu.memory_space<vmem>> -> memref<10112xf32, #tpu.memory_space<vmem>>
      tpu.enqueue_dma source(%dma_start3A_15 : memref<10112xf32, #tpu.memory_space<vmem>>) target(%dma_start3A_13 : memref<10112xf32, #tpu.memory_space<hbm>>) target_semaphore(%run_scoped3A : memref<!tpu.dma_semaphore, #tpu.memory_space<semaphore_mem>>)
      %dma_wait3A = arith.constant 10112 : i32
      %dma_wait3A_16 = tpu.memref_slice %arg10[%dma_wait3A] : memref<20224xf32, #tpu.memory_space<vmem>> -> memref<10112xf32, #tpu.memory_space<vmem>>
      %dma_wait3A_17 = arith.constant 0 : i32
      %dma_wait3A_18 = tpu.memref_slice %arg6[%add3A_6, %dma_wait3A_17] : memref<64x10112xf32, #tpu.memory_space<hbm>> -> memref<1x10112xf32, #tpu.memory_space<hbm>>
      %dma_wait3A_19 = tpu.memref_squeeze %dma_wait3A_18 : memref<1x10112xf32, #tpu.memory_space<hbm>> -> memref<10112xf32, #tpu.memory_space<hbm>>
      %dma_wait3A_20 = arith.constant 0 : i32
      %dma_wait3A_21 = tpu.memref_slice %arg6[%add3A_6, %dma_wait3A_20] : memref<64x10112xf32, #tpu.memory_space<hbm>> -> memref<1x10112xf32, #tpu.memory_space<hbm>>
      %dma_wait3A_22 = tpu.memref_squeeze %dma_wait3A_21 : memref<1x10112xf32, #tpu.memory_space<hbm>> -> memref<10112xf32, #tpu.memory_space<hbm>>
      %dma_wait3A_23 = arith.constant 10112 : i32
      %dma_wait3A_24 = tpu.memref_slice %arg10[%dma_wait3A_23] : memref<20224xf32, #tpu.memory_space<vmem>> -> memref<10112xf32, #tpu.memory_space<vmem>>
      tpu.wait_dma2 semaphore(%run_scoped3A : memref<!tpu.dma_semaphore, #tpu.memory_space<semaphore_mem>>) src(%dma_wait3A_24 : memref<10112xf32, #tpu.memory_space<vmem>>) dst(%dma_wait3A_22 : memref<10112xf32, #tpu.memory_space<hbm>>)
      tpu.yield
    }) : () -> ()
    return
  }
}

#map = affine_map<(d0, d1) -> (0)>
#map1 = affine_map<(d0, d1) -> (0, 0)>
#map2 = affine_map<(d0, d1) -> (0, 0, 0)>
module attributes {stable_mosaic.version = 14 : i64} {
  func.func @_sc_scatter1(%arg0: i32, %arg1: i32, %arg2: memref<20224xf32, #tpu.memory_space<hbm>>, %arg3: memref<320000xi32, #tpu.memory_space<hbm>>, %arg4: memref<320000xi32, #tpu.memory_space<hbm>>, %arg5: memref<20224xf32, #tpu.memory_space<hbm>>, %arg6: memref<79x128xf32, #tpu.memory_space<hbm>>, %arg7: memref<79xi32, #tpu.memory_space<hbm>>, %arg8: memref<64x10112xf32, #tpu.memory_space<hbm>>, %arg9: memref<2x79x128xf32, #tpu.memory_space<hbm>>, %arg10: memref<10000xi32, #tpu.memory_space<vmem>>, %arg11: memref<10000xi32, #tpu.memory_space<vmem>>, %arg12: memref<20000xi32, #tpu.memory_space<vmem>>, %arg13: memref<20224xf32, #tpu.memory_space<vmem>>, %arg14: memref<20224xf32, #tpu.memory_space<vmem>>, %arg15: memref<79x128xf32, #tpu.memory_space<vmem>>, %arg16: memref<79xi32, #tpu.memory_space<vmem>>, %arg17: memref<79x128xf32, #tpu.memory_space<vmem_shared>>) attributes {dimension_semantics = [#tpu.dimension_semantics<core_parallel>, #tpu.dimension_semantics<subcore_parallel>], iteration_bounds = array<i64: 2, 16>, scalar_prefetch = 0 : i64, scratch_operands = 8 : i64, tpu.core_type = #tpu.core_type<sc_vector_subcore>, window_params = [{transform_indices = #map}, {transform_indices = #map}, {transform_indices = #map}, {transform_indices = #map}, {transform_indices = #map1}, {transform_indices = #map}, {transform_indices = #map1}, {transform_indices = #map2}]} {
    %mul3A = arith.constant 2 : i32
    %mul3A_0 = arith.muli %arg1, %mul3A : i32
    %add3A = arith.addi %mul3A_0, %arg0 : i32
    %mul3A_1 = arith.constant 10000 : i32
    %mul3A_2 = arith.muli %add3A, %mul3A_1 : i32
    "tpu.region"() ({
      %run_scoped3A = tpu.sem_alloc : memref<!tpu.dma_semaphore, #tpu.memory_space<semaphore_mem>>
      %dma_start3A = tpu.memref_slice %arg3[%mul3A_2] : memref<320000xi32, #tpu.memory_space<hbm>> -> memref<10000xi32, #tpu.memory_space<hbm>>
      %dma_start3A_28 = tpu.memref_slice %arg3[%mul3A_2] : memref<320000xi32, #tpu.memory_space<hbm>> -> memref<10000xi32, #tpu.memory_space<hbm>>
      tpu.enqueue_dma source(%dma_start3A_28 : memref<10000xi32, #tpu.memory_space<hbm>>) target(%arg10 : memref<10000xi32, #tpu.memory_space<vmem>>) target_semaphore(%run_scoped3A : memref<!tpu.dma_semaphore, #tpu.memory_space<semaphore_mem>>)
      %dma_wait3A = tpu.memref_slice %arg3[%mul3A_2] : memref<320000xi32, #tpu.memory_space<hbm>> -> memref<10000xi32, #tpu.memory_space<hbm>>
      %dma_wait3A_29 = tpu.memref_slice %arg3[%mul3A_2] : memref<320000xi32, #tpu.memory_space<hbm>> -> memref<10000xi32, #tpu.memory_space<hbm>>
      tpu.wait_dma2 semaphore(%run_scoped3A : memref<!tpu.dma_semaphore, #tpu.memory_space<semaphore_mem>>) src(%dma_wait3A_29 : memref<10000xi32, #tpu.memory_space<hbm>>) dst(%arg10 : memref<10000xi32, #tpu.memory_space<vmem>>)
      tpu.yield
    }) : () -> ()
    "tpu.region"() ({
      %run_scoped3A = tpu.sem_alloc : memref<!tpu.dma_semaphore, #tpu.memory_space<semaphore_mem>>
      %dma_start3A = tpu.memref_slice %arg4[%mul3A_2] : memref<320000xi32, #tpu.memory_space<hbm>> -> memref<10000xi32, #tpu.memory_space<hbm>>
      %dma_start3A_28 = tpu.memref_slice %arg4[%mul3A_2] : memref<320000xi32, #tpu.memory_space<hbm>> -> memref<10000xi32, #tpu.memory_space<hbm>>
      tpu.enqueue_dma source(%dma_start3A_28 : memref<10000xi32, #tpu.memory_space<hbm>>) target(%arg11 : memref<10000xi32, #tpu.memory_space<vmem>>) target_semaphore(%run_scoped3A : memref<!tpu.dma_semaphore, #tpu.memory_space<semaphore_mem>>)
      %dma_wait3A = tpu.memref_slice %arg4[%mul3A_2] : memref<320000xi32, #tpu.memory_space<hbm>> -> memref<10000xi32, #tpu.memory_space<hbm>>
      %dma_wait3A_29 = tpu.memref_slice %arg4[%mul3A_2] : memref<320000xi32, #tpu.memory_space<hbm>> -> memref<10000xi32, #tpu.memory_space<hbm>>
      tpu.wait_dma2 semaphore(%run_scoped3A : memref<!tpu.dma_semaphore, #tpu.memory_space<semaphore_mem>>) src(%dma_wait3A_29 : memref<10000xi32, #tpu.memory_space<hbm>>) dst(%arg11 : memref<10000xi32, #tpu.memory_space<vmem>>)
      tpu.yield
    }) : () -> ()
    %mul3A_3 = arith.constant 20000 : i32
    %mul3A_4 = arith.muli %arg1, %mul3A_3 : i32
    "tpu.region"() ({
      %run_scoped3A = tpu.sem_alloc : memref<!tpu.dma_semaphore, #tpu.memory_space<semaphore_mem>>
      %dma_start3A = tpu.memref_slice %arg4[%mul3A_4] : memref<320000xi32, #tpu.memory_space<hbm>> -> memref<20000xi32, #tpu.memory_space<hbm>>
      %dma_start3A_28 = tpu.memref_slice %arg4[%mul3A_4] : memref<320000xi32, #tpu.memory_space<hbm>> -> memref<20000xi32, #tpu.memory_space<hbm>>
      tpu.enqueue_dma source(%dma_start3A_28 : memref<20000xi32, #tpu.memory_space<hbm>>) target(%arg12 : memref<20000xi32, #tpu.memory_space<vmem>>) target_semaphore(%run_scoped3A : memref<!tpu.dma_semaphore, #tpu.memory_space<semaphore_mem>>)
      %dma_wait3A = tpu.memref_slice %arg4[%mul3A_4] : memref<320000xi32, #tpu.memory_space<hbm>> -> memref<20000xi32, #tpu.memory_space<hbm>>
      %dma_wait3A_29 = tpu.memref_slice %arg4[%mul3A_4] : memref<320000xi32, #tpu.memory_space<hbm>> -> memref<20000xi32, #tpu.memory_space<hbm>>
      tpu.wait_dma2 semaphore(%run_scoped3A : memref<!tpu.dma_semaphore, #tpu.memory_space<semaphore_mem>>) src(%dma_wait3A_29 : memref<20000xi32, #tpu.memory_space<hbm>>) dst(%arg12 : memref<20000xi32, #tpu.memory_space<vmem>>)
      tpu.yield
    }) : () -> ()
    "tpu.region"() ({
      %run_scoped3A = tpu.sem_alloc : memref<!tpu.dma_semaphore, #tpu.memory_space<semaphore_mem>>
      tpu.enqueue_dma source(%arg2 : memref<20224xf32, #tpu.memory_space<hbm>>) target(%arg13 : memref<20224xf32, #tpu.memory_space<vmem>>) target_semaphore(%run_scoped3A : memref<!tpu.dma_semaphore, #tpu.memory_space<semaphore_mem>>)
      tpu.wait_dma2 semaphore(%run_scoped3A : memref<!tpu.dma_semaphore, #tpu.memory_space<semaphore_mem>>) src(%arg2 : memref<20224xf32, #tpu.memory_space<hbm>>) dst(%arg13 : memref<20224xf32, #tpu.memory_space<vmem>>)
      tpu.yield
    }) : () -> ()
    "tpu.region"() ({
      %run_scoped3A = tpu.sem_alloc : memref<!tpu.dma_semaphore, #tpu.memory_space<semaphore_mem>>
      tpu.enqueue_dma source(%arg5 : memref<20224xf32, #tpu.memory_space<hbm>>) target(%arg14 : memref<20224xf32, #tpu.memory_space<vmem>>) target_semaphore(%run_scoped3A : memref<!tpu.dma_semaphore, #tpu.memory_space<semaphore_mem>>)
      tpu.wait_dma2 semaphore(%run_scoped3A : memref<!tpu.dma_semaphore, #tpu.memory_space<semaphore_mem>>) src(%arg5 : memref<20224xf32, #tpu.memory_space<hbm>>) dst(%arg14 : memref<20224xf32, #tpu.memory_space<vmem>>)
      tpu.yield
    }) : () -> ()
    "tpu.region"() ({
      %run_scoped3A = tpu.sem_alloc : memref<!tpu.dma_semaphore, #tpu.memory_space<semaphore_mem>>
      tpu.enqueue_dma source(%arg6 : memref<79x128xf32, #tpu.memory_space<hbm>>) target(%arg15 : memref<79x128xf32, #tpu.memory_space<vmem>>) target_semaphore(%run_scoped3A : memref<!tpu.dma_semaphore, #tpu.memory_space<semaphore_mem>>)
      tpu.wait_dma2 semaphore(%run_scoped3A : memref<!tpu.dma_semaphore, #tpu.memory_space<semaphore_mem>>) src(%arg6 : memref<79x128xf32, #tpu.memory_space<hbm>>) dst(%arg15 : memref<79x128xf32, #tpu.memory_space<vmem>>)
      tpu.yield
    }) : () -> ()
    "tpu.region"() ({
      %run_scoped3A = tpu.sem_alloc : memref<!tpu.dma_semaphore, #tpu.memory_space<semaphore_mem>>
      tpu.enqueue_dma source(%arg7 : memref<79xi32, #tpu.memory_space<hbm>>) target(%arg16 : memref<79xi32, #tpu.memory_space<vmem>>) target_semaphore(%run_scoped3A : memref<!tpu.dma_semaphore, #tpu.memory_space<semaphore_mem>>)
      tpu.wait_dma2 semaphore(%run_scoped3A : memref<!tpu.dma_semaphore, #tpu.memory_space<semaphore_mem>>) src(%arg7 : memref<79xi32, #tpu.memory_space<hbm>>) dst(%arg16 : memref<79xi32, #tpu.memory_space<vmem>>)
      tpu.yield
    }) : () -> ()
    %broadcast_in_dim3A = arith.constant 1.000000e+00 : f32
    %broadcast_in_dim3A_5 = vector.broadcast %broadcast_in_dim3A : f32 to vector<16xf32>
    %parallel_loop3A = arith.constant 0 : i32
    %parallel_loop3A_6 = arith.constant 1250 : i32
    %parallel_loop3A_7 = arith.constant 1 : i32
    scf.for %parallel_loop3A_28 = %parallel_loop3A to %parallel_loop3A_6 step %parallel_loop3A_7  : i32 {
      %parallel_loop3A_29 = arith.constant 16 : i32
      %parallel_loop3A_30 = arith.muli %parallel_loop3A_28, %parallel_loop3A_29 : i32
      %parallel_loop3A_31 = arith.index_cast %parallel_loop3A_30 : i32 to index
      %parallel_loop3A_32 = tpu.vector_load %arg12[%parallel_loop3A_31] {strides = array<i32>} : memref<20000xi32, #tpu.memory_space<vmem>>, vector<16xi32>,
      %parallel_loop3A_33 = arith.constant 7 : i32
      %parallel_loop3A_34 = vector.broadcast %parallel_loop3A_33 : i32 to vector<16xi32>
      %parallel_loop3A_35 = arith.shrsi %parallel_loop3A_32, %parallel_loop3A_34 : vector<16xi32>
      %parallel_loop3A_36 = arith.constant 127 : i32
      %parallel_loop3A_37 = vector.broadcast %parallel_loop3A_36 : i32 to vector<16xi32>
      %parallel_loop3A_38 = arith.andi %parallel_loop3A_32, %parallel_loop3A_37 : vector<16xi32>
      tpu.vector_store_idx %arg15[%parallel_loop3A_35, %parallel_loop3A_38], %broadcast_in_dim3A_5 {add = true} : memref<79x128xf32, #tpu.memory_space<vmem>>[vector<16xi32>, vector<16xi32>], vector<16xf32>,
    } {sc.loop_unroll_factor = 8 : i64, sc.parallel_access}
    %eq3A = arith.constant 0 : i32
    %eq3A_8 = arith.cmpi eq, %arg1, %eq3A : i32
    %convert_element_type3A = arith.extui %eq3A_8 : i1 to i32
    %cond3A = arith.constant 0 : i32
    %cond3A_9 = arith.cmpi ne, %convert_element_type3A, %cond3A : i32
    scf.if %cond3A_9 {
      "tpu.region"() ({
        %run_scoped3A = tpu.sem_alloc : memref<!tpu.dma_semaphore, #tpu.memory_space<semaphore_mem>>
        tpu.enqueue_dma source(%arg15 : memref<79x128xf32, #tpu.memory_space<vmem>>) target(%arg17 : memref<79x128xf32, #tpu.memory_space<vmem_shared>>) target_semaphore(%run_scoped3A : memref<!tpu.dma_semaphore, #tpu.memory_space<semaphore_mem>>)
        tpu.wait_dma2 semaphore(%run_scoped3A : memref<!tpu.dma_semaphore, #tpu.memory_space<semaphore_mem>>) src(%arg15 : memref<79x128xf32, #tpu.memory_space<vmem>>) dst(%arg17 : memref<79x128xf32, #tpu.memory_space<vmem_shared>>)
        tpu.yield
      }) : () -> ()
    } else {
    }
    %barrier3A = arith.constant 0 : index
    tpu.barrier barrier_id(%barrier3A)
    %ne3A = arith.constant 0 : i32
    %ne3A_10 = arith.cmpi ne, %arg1, %ne3A : i32
    %convert_element_type3A_11 = arith.extui %ne3A_10 : i1 to i32
    %cond3A_12 = arith.constant 0 : i32
    %cond3A_13 = arith.cmpi ne, %convert_element_type3A_11, %cond3A_12 : i32
    scf.if %cond3A_13 {
      "tpu.region"() ({
        %run_scoped3A = tpu.sem_alloc : memref<!tpu.dma_semaphore, #tpu.memory_space<semaphore_mem>>
        %dma_start3A = arith.constant 0 : i32
        %dma_start3A_28 = arith.constant 0 : i32
        %dma_start3A_29 = tpu.memref_slice %arg17[%dma_start3A, %dma_start3A_28] : memref<79x128xf32, #tpu.memory_space<vmem_shared>> -> memref<79x128xf32, #tpu.memory_space<vmem_shared>>
        tpu.enqueue_indirect_dma source(%arg15 : memref<79x128xf32, #tpu.memory_space<vmem>>) target(%dma_start3A_29 : memref<79x128xf32, #tpu.memory_space<vmem_shared>>) offsets(%arg16 : memref<79xi32, #tpu.memory_space<vmem>>) semaphore(%run_scoped3A : memref<!tpu.dma_semaphore, #tpu.memory_space<semaphore_mem>>) {add = true}
        %dma_wait3A = arith.constant 0 : i32
        %dma_wait3A_30 = arith.constant 0 : i32
        %dma_wait3A_31 = tpu.memref_slice %arg17[%dma_wait3A, %dma_wait3A_30] : memref<79x128xf32, #tpu.memory_space<vmem_shared>> -> memref<79x128xf32, #tpu.memory_space<vmem_shared>>
        tpu.wait_indirect_dma semaphore(%run_scoped3A : memref<!tpu.dma_semaphore, #tpu.memory_space<semaphore_mem>>) src(%arg15 : memref<79x128xf32, #tpu.memory_space<vmem>>) dst(%dma_wait3A_31 : memref<79x128xf32, #tpu.memory_space<vmem_shared>>)
        tpu.yield
      }) : () -> ()
    } else {
    }
    %barrier3A_14 = arith.constant 0 : index
    tpu.barrier barrier_id(%barrier3A_14)
    "tpu.region"() ({
      %run_scoped3A = tpu.sem_alloc : memref<!tpu.dma_semaphore, #tpu.memory_space<semaphore_mem>>
      tpu.enqueue_dma source(%arg17 : memref<79x128xf32, #tpu.memory_space<vmem_shared>>) target(%arg15 : memref<79x128xf32, #tpu.memory_space<vmem>>) target_semaphore(%run_scoped3A : memref<!tpu.dma_semaphore, #tpu.memory_space<semaphore_mem>>)
      tpu.wait_dma2 semaphore(%run_scoped3A : memref<!tpu.dma_semaphore, #tpu.memory_space<semaphore_mem>>) src(%arg17 : memref<79x128xf32, #tpu.memory_space<vmem_shared>>) dst(%arg15 : memref<79x128xf32, #tpu.memory_space<vmem>>)
      tpu.yield
    }) : () -> ()
    %parallel_loop3A_15 = arith.constant 0 : i32
    %parallel_loop3A_16 = arith.constant 632 : i32
    %parallel_loop3A_17 = arith.constant 1 : i32
    scf.for %parallel_loop3A_28 = %parallel_loop3A_15 to %parallel_loop3A_16 step %parallel_loop3A_17  : i32 {
      %parallel_loop3A_29 = arith.constant 3 : i32
      %parallel_loop3A_30 = arith.shrsi %parallel_loop3A_28, %parallel_loop3A_29 : i32
      %parallel_loop3A_31 = arith.constant 7 : i32
      %parallel_loop3A_32 = arith.andi %parallel_loop3A_28, %parallel_loop3A_31 : i32
      %parallel_loop3A_33 = arith.constant 16 : i32
      %parallel_loop3A_34 = arith.muli %parallel_loop3A_32, %parallel_loop3A_33 : i32
      %parallel_loop3A_35 = arith.index_cast %parallel_loop3A_30 : i32 to index
      %parallel_loop3A_36 = arith.index_cast %parallel_loop3A_34 : i32 to index
      %parallel_loop3A_37 = tpu.vector_load %arg15[%parallel_loop3A_35, %parallel_loop3A_36] {strides = array<i32>} : memref<79x128xf32, #tpu.memory_space<vmem>>, vector<16xf32>,
      %parallel_loop3A_38 = arith.constant 1.000000e+00 : f32
      %parallel_loop3A_39 = vector.broadcast %parallel_loop3A_38 : f32 to vector<16xf32>
      %parallel_loop3A_40 = arith.addf %parallel_loop3A_37, %parallel_loop3A_39 : vector<16xf32>
      %parallel_loop3A_41 = vector.bitcast %parallel_loop3A_40 : vector<16xf32> to vector<16xi32>
      %parallel_loop3A_42 = arith.constant 1 : i32
      %parallel_loop3A_43 = vector.broadcast %parallel_loop3A_42 : i32 to vector<16xi32>
      %parallel_loop3A_44 = arith.shrsi %parallel_loop3A_41, %parallel_loop3A_43 : vector<16xi32>
      %parallel_loop3A_45 = arith.constant 1597463007 : i32
      %parallel_loop3A_46 = vector.broadcast %parallel_loop3A_45 : i32 to vector<16xi32>
      %parallel_loop3A_47 = arith.subi %parallel_loop3A_46, %parallel_loop3A_44 : vector<16xi32>
      %parallel_loop3A_48 = vector.bitcast %parallel_loop3A_47 : vector<16xi32> to vector<16xf32>
      %parallel_loop3A_49 = arith.constant 5.000000e-01 : f32
      %parallel_loop3A_50 = vector.broadcast %parallel_loop3A_49 : f32 to vector<16xf32>
      %parallel_loop3A_51 = arith.mulf %parallel_loop3A_50, %parallel_loop3A_40 : vector<16xf32>
      %parallel_loop3A_52 = arith.mulf %parallel_loop3A_51, %parallel_loop3A_48 : vector<16xf32>
      %parallel_loop3A_53 = arith.mulf %parallel_loop3A_52, %parallel_loop3A_48 : vector<16xf32>
      %parallel_loop3A_54 = arith.constant 1.500000e+00 : f32
      %parallel_loop3A_55 = vector.broadcast %parallel_loop3A_54 : f32 to vector<16xf32>
      %parallel_loop3A_56 = arith.subf %parallel_loop3A_55, %parallel_loop3A_53 : vector<16xf32>
      %parallel_loop3A_57 = arith.mulf %parallel_loop3A_48, %parallel_loop3A_56 : vector<16xf32>
      %parallel_loop3A_58 = arith.mulf %parallel_loop3A_51, %parallel_loop3A_57 : vector<16xf32>
      %parallel_loop3A_59 = arith.mulf %parallel_loop3A_58, %parallel_loop3A_57 : vector<16xf32>
      %parallel_loop3A_60 = arith.constant 1.500000e+00 : f32
      %parallel_loop3A_61 = vector.broadcast %parallel_loop3A_60 : f32 to vector<16xf32>
      %parallel_loop3A_62 = arith.subf %parallel_loop3A_61, %parallel_loop3A_59 : vector<16xf32>
      %parallel_loop3A_63 = arith.mulf %parallel_loop3A_57, %parallel_loop3A_62 : vector<16xf32>
      %parallel_loop3A_64 = arith.mulf %parallel_loop3A_51, %parallel_loop3A_63 : vector<16xf32>
      %parallel_loop3A_65 = arith.mulf %parallel_loop3A_64, %parallel_loop3A_63 : vector<16xf32>
      %parallel_loop3A_66 = arith.constant 1.500000e+00 : f32
      %parallel_loop3A_67 = vector.broadcast %parallel_loop3A_66 : f32 to vector<16xf32>
      %parallel_loop3A_68 = arith.subf %parallel_loop3A_67, %parallel_loop3A_65 : vector<16xf32>
      %parallel_loop3A_69 = arith.mulf %parallel_loop3A_63, %parallel_loop3A_68 : vector<16xf32>
      %parallel_loop3A_70 = arith.index_cast %parallel_loop3A_30 : i32 to index
      %parallel_loop3A_71 = arith.index_cast %parallel_loop3A_34 : i32 to index
      %parallel_loop3A_72 = tpu.vector_load %arg15[%parallel_loop3A_70, %parallel_loop3A_71] {strides = array<i32>} : memref<79x128xf32, #tpu.memory_space<vmem>>, vector<16xf32>,
      tpu.vector_store %arg15[%parallel_loop3A_70, %parallel_loop3A_71], %parallel_loop3A_69 {strides = array<i32>} : memref<79x128xf32, #tpu.memory_space<vmem>>, vector<16xf32>,
      %parallel_loop3A_73 = arith.constant 16 : i32
      %parallel_loop3A_74 = arith.muli %parallel_loop3A_28, %parallel_loop3A_73 : i32
      %parallel_loop3A_75 = arith.index_cast %parallel_loop3A_74 : i32 to index
      %parallel_loop3A_76 = tpu.vector_load %arg13[%parallel_loop3A_75] {strides = array<i32>} : memref<20224xf32, #tpu.memory_space<vmem>>, vector<16xf32>,
      %parallel_loop3A_77 = arith.mulf %parallel_loop3A_76, %parallel_loop3A_69 : vector<16xf32>
      %parallel_loop3A_78 = arith.constant 16 : i32
      %parallel_loop3A_79 = arith.muli %parallel_loop3A_28, %parallel_loop3A_78 : i32
      %parallel_loop3A_80 = arith.index_cast %parallel_loop3A_79 : i32 to index
      %parallel_loop3A_81 = tpu.vector_load %arg13[%parallel_loop3A_80] {strides = array<i32>} : memref<20224xf32, #tpu.memory_space<vmem>>, vector<16xf32>,
      tpu.vector_store %arg13[%parallel_loop3A_80], %parallel_loop3A_77 {strides = array<i32>} : memref<20224xf32, #tpu.memory_space<vmem>>, vector<16xf32>,
      %parallel_loop3A_82 = arith.constant 16 : i32
      %parallel_loop3A_83 = arith.muli %parallel_loop3A_28, %parallel_loop3A_82 : i32
      %parallel_loop3A_84 = arith.constant 10112 : i32
      %parallel_loop3A_85 = arith.addi %parallel_loop3A_84, %parallel_loop3A_83 : i32
      %parallel_loop3A_86 = arith.index_cast %parallel_loop3A_85 : i32 to index
      %parallel_loop3A_87 = tpu.vector_load %arg13[%parallel_loop3A_86] {strides = array<i32>} : memref<20224xf32, #tpu.memory_space<vmem>>, vector<16xf32>,
      %parallel_loop3A_88 = arith.mulf %parallel_loop3A_87, %parallel_loop3A_69 : vector<16xf32>
      %parallel_loop3A_89 = arith.constant 16 : i32
      %parallel_loop3A_90 = arith.muli %parallel_loop3A_28, %parallel_loop3A_89 : i32
      %parallel_loop3A_91 = arith.constant 10112 : i32
      %parallel_loop3A_92 = arith.addi %parallel_loop3A_91, %parallel_loop3A_90 : i32
      %parallel_loop3A_93 = arith.index_cast %parallel_loop3A_92 : i32 to index
      %parallel_loop3A_94 = tpu.vector_load %arg13[%parallel_loop3A_93] {strides = array<i32>} : memref<20224xf32, #tpu.memory_space<vmem>>, vector<16xf32>,
      tpu.vector_store %arg13[%parallel_loop3A_93], %parallel_loop3A_88 {strides = array<i32>} : memref<20224xf32, #tpu.memory_space<vmem>>, vector<16xf32>,
    } {sc.loop_unroll_factor = 4 : i64, sc.parallel_access}
    %parallel_loop3A_18 = arith.constant 0 : i32
    %parallel_loop3A_19 = arith.constant 625 : i32
    %parallel_loop3A_20 = arith.constant 1 : i32
    scf.for %parallel_loop3A_28 = %parallel_loop3A_18 to %parallel_loop3A_19 step %parallel_loop3A_20  : i32 {
      %parallel_loop3A_29 = arith.constant 16 : i32
      %parallel_loop3A_30 = arith.muli %parallel_loop3A_28, %parallel_loop3A_29 : i32
      %parallel_loop3A_31 = arith.index_cast %parallel_loop3A_30 : i32 to index
      %parallel_loop3A_32 = tpu.vector_load %arg10[%parallel_loop3A_31] {strides = array<i32>} : memref<10000xi32, #tpu.memory_space<vmem>>, vector<16xi32>,
      %parallel_loop3A_33 = arith.constant 16 : i32
      %parallel_loop3A_34 = arith.muli %parallel_loop3A_28, %parallel_loop3A_33 : i32
      %parallel_loop3A_35 = arith.index_cast %parallel_loop3A_34 : i32 to index
      %parallel_loop3A_36 = tpu.vector_load %arg11[%parallel_loop3A_35] {strides = array<i32>} : memref<10000xi32, #tpu.memory_space<vmem>>, vector<16xi32>,
      %parallel_loop3A_37 = tpu.vector_load_idx %arg13[%parallel_loop3A_32] : memref<20224xf32, #tpu.memory_space<vmem>>[vector<16xi32>], vector<16xf32>,
      %parallel_loop3A_38 = arith.constant 10112 : i32
      %parallel_loop3A_39 = vector.broadcast %parallel_loop3A_38 : i32 to vector<16xi32>
      %parallel_loop3A_40 = arith.addi %parallel_loop3A_32, %parallel_loop3A_39 : vector<16xi32>
      %parallel_loop3A_41 = tpu.vector_load_idx %arg13[%parallel_loop3A_40] : memref<20224xf32, #tpu.memory_space<vmem>>[vector<16xi32>], vector<16xf32>,
      tpu.vector_store_idx %arg14[%parallel_loop3A_36], %parallel_loop3A_37 {add = true} : memref<20224xf32, #tpu.memory_space<vmem>>[vector<16xi32>], vector<16xf32>,
      %parallel_loop3A_42 = arith.constant 10112 : i32
      %parallel_loop3A_43 = vector.broadcast %parallel_loop3A_42 : i32 to vector<16xi32>
      %parallel_loop3A_44 = arith.addi %parallel_loop3A_36, %parallel_loop3A_43 : vector<16xi32>
      tpu.vector_store_idx %arg14[%parallel_loop3A_44], %parallel_loop3A_41 {add = true} : memref<20224xf32, #tpu.memory_space<vmem>>[vector<16xi32>], vector<16xf32>,
    } {sc.loop_unroll_factor = 8 : i64, sc.parallel_access}
    "tpu.region"() ({
      %run_scoped3A = tpu.sem_alloc : memref<!tpu.dma_semaphore, #tpu.memory_space<semaphore_mem>>
      %dma_start3A = arith.constant 0 : i32
      %dma_start3A_28 = tpu.memref_slice %arg14[%dma_start3A] : memref<20224xf32, #tpu.memory_space<vmem>> -> memref<10112xf32, #tpu.memory_space<vmem>>
      %dma_start3A_29 = arith.constant 0 : i32
      %dma_start3A_30 = tpu.memref_slice %arg8[%add3A, %dma_start3A_29] : memref<64x10112xf32, #tpu.memory_space<hbm>> -> memref<1x10112xf32, #tpu.memory_space<hbm>>
      %dma_start3A_31 = tpu.memref_squeeze %dma_start3A_30 : memref<1x10112xf32, #tpu.memory_space<hbm>> -> memref<10112xf32, #tpu.memory_space<hbm>>
      %dma_start3A_32 = arith.constant 0 : i32
      %dma_start3A_33 = tpu.memref_slice %arg8[%add3A, %dma_start3A_32] : memref<64x10112xf32, #tpu.memory_space<hbm>> -> memref<1x10112xf32, #tpu.memory_space<hbm>>
      %dma_start3A_34 = tpu.memref_squeeze %dma_start3A_33 : memref<1x10112xf32, #tpu.memory_space<hbm>> -> memref<10112xf32, #tpu.memory_space<hbm>>
      %dma_start3A_35 = arith.constant 0 : i32
      %dma_start3A_36 = tpu.memref_slice %arg14[%dma_start3A_35] : memref<20224xf32, #tpu.memory_space<vmem>> -> memref<10112xf32, #tpu.memory_space<vmem>>
      tpu.enqueue_dma source(%dma_start3A_36 : memref<10112xf32, #tpu.memory_space<vmem>>) target(%dma_start3A_34 : memref<10112xf32, #tpu.memory_space<hbm>>) target_semaphore(%run_scoped3A : memref<!tpu.dma_semaphore, #tpu.memory_space<semaphore_mem>>)
      %dma_wait3A = arith.constant 0 : i32
      %dma_wait3A_37 = tpu.memref_slice %arg14[%dma_wait3A] : memref<20224xf32, #tpu.memory_space<vmem>> -> memref<10112xf32, #tpu.memory_space<vmem>>
      %dma_wait3A_38 = arith.constant 0 : i32
      %dma_wait3A_39 = tpu.memref_slice %arg8[%add3A, %dma_wait3A_38] : memref<64x10112xf32, #tpu.memory_space<hbm>> -> memref<1x10112xf32, #tpu.memory_space<hbm>>
      %dma_wait3A_40 = tpu.memref_squeeze %dma_wait3A_39 : memref<1x10112xf32, #tpu.memory_space<hbm>> -> memref<10112xf32, #tpu.memory_space<hbm>>
      %dma_wait3A_41 = arith.constant 0 : i32
      %dma_wait3A_42 = tpu.memref_slice %arg8[%add3A, %dma_wait3A_41] : memref<64x10112xf32, #tpu.memory_space<hbm>> -> memref<1x10112xf32, #tpu.memory_space<hbm>>
      %dma_wait3A_43 = tpu.memref_squeeze %dma_wait3A_42 : memref<1x10112xf32, #tpu.memory_space<hbm>> -> memref<10112xf32, #tpu.memory_space<hbm>>
      %dma_wait3A_44 = arith.constant 0 : i32
      %dma_wait3A_45 = tpu.memref_slice %arg14[%dma_wait3A_44] : memref<20224xf32, #tpu.memory_space<vmem>> -> memref<10112xf32, #tpu.memory_space<vmem>>
      tpu.wait_dma2 semaphore(%run_scoped3A : memref<!tpu.dma_semaphore, #tpu.memory_space<semaphore_mem>>) src(%dma_wait3A_45 : memref<10112xf32, #tpu.memory_space<vmem>>) dst(%dma_wait3A_43 : memref<10112xf32, #tpu.memory_space<hbm>>)
      tpu.yield
    }) : () -> ()
    %add3A_21 = arith.constant 32 : i32
    %add3A_22 = arith.addi %add3A_21, %add3A : i32
    "tpu.region"() ({
      %run_scoped3A = tpu.sem_alloc : memref<!tpu.dma_semaphore, #tpu.memory_space<semaphore_mem>>
      %dma_start3A = arith.constant 10112 : i32
      %dma_start3A_28 = tpu.memref_slice %arg14[%dma_start3A] : memref<20224xf32, #tpu.memory_space<vmem>> -> memref<10112xf32, #tpu.memory_space<vmem>>
      %dma_start3A_29 = arith.constant 0 : i32
      %dma_start3A_30 = tpu.memref_slice %arg8[%add3A_22, %dma_start3A_29] : memref<64x10112xf32, #tpu.memory_space<hbm>> -> memref<1x10112xf32, #tpu.memory_space<hbm>>
      %dma_start3A_31 = tpu.memref_squeeze %dma_start3A_30 : memref<1x10112xf32, #tpu.memory_space<hbm>> -> memref<10112xf32, #tpu.memory_space<hbm>>
      %dma_start3A_32 = arith.constant 0 : i32
      %dma_start3A_33 = tpu.memref_slice %arg8[%add3A_22, %dma_start3A_32] : memref<64x10112xf32, #tpu.memory_space<hbm>> -> memref<1x10112xf32, #tpu.memory_space<hbm>>
      %dma_start3A_34 = tpu.memref_squeeze %dma_start3A_33 : memref<1x10112xf32, #tpu.memory_space<hbm>> -> memref<10112xf32, #tpu.memory_space<hbm>>
      %dma_start3A_35 = arith.constant 10112 : i32
      %dma_start3A_36 = tpu.memref_slice %arg14[%dma_start3A_35] : memref<20224xf32, #tpu.memory_space<vmem>> -> memref<10112xf32, #tpu.memory_space<vmem>>
      tpu.enqueue_dma source(%dma_start3A_36 : memref<10112xf32, #tpu.memory_space<vmem>>) target(%dma_start3A_34 : memref<10112xf32, #tpu.memory_space<hbm>>) target_semaphore(%run_scoped3A : memref<!tpu.dma_semaphore, #tpu.memory_space<semaphore_mem>>)
      %dma_wait3A = arith.constant 10112 : i32
      %dma_wait3A_37 = tpu.memref_slice %arg14[%dma_wait3A] : memref<20224xf32, #tpu.memory_space<vmem>> -> memref<10112xf32, #tpu.memory_space<vmem>>
      %dma_wait3A_38 = arith.constant 0 : i32
      %dma_wait3A_39 = tpu.memref_slice %arg8[%add3A_22, %dma_wait3A_38] : memref<64x10112xf32, #tpu.memory_space<hbm>> -> memref<1x10112xf32, #tpu.memory_space<hbm>>
      %dma_wait3A_40 = tpu.memref_squeeze %dma_wait3A_39 : memref<1x10112xf32, #tpu.memory_space<hbm>> -> memref<10112xf32, #tpu.memory_space<hbm>>
      %dma_wait3A_41 = arith.constant 0 : i32
      %dma_wait3A_42 = tpu.memref_slice %arg8[%add3A_22, %dma_wait3A_41] : memref<64x10112xf32, #tpu.memory_space<hbm>> -> memref<1x10112xf32, #tpu.memory_space<hbm>>
      %dma_wait3A_43 = tpu.memref_squeeze %dma_wait3A_42 : memref<1x10112xf32, #tpu.memory_space<hbm>> -> memref<10112xf32, #tpu.memory_space<hbm>>
      %dma_wait3A_44 = arith.constant 10112 : i32
      %dma_wait3A_45 = tpu.memref_slice %arg14[%dma_wait3A_44] : memref<20224xf32, #tpu.memory_space<vmem>> -> memref<10112xf32, #tpu.memory_space<vmem>>
      tpu.wait_dma2 semaphore(%run_scoped3A : memref<!tpu.dma_semaphore, #tpu.memory_space<semaphore_mem>>) src(%dma_wait3A_45 : memref<10112xf32, #tpu.memory_space<vmem>>) dst(%dma_wait3A_43 : memref<10112xf32, #tpu.memory_space<hbm>>)
      tpu.yield
    }) : () -> ()
    %eq3A_23 = arith.constant 0 : i32
    %eq3A_24 = arith.cmpi eq, %arg1, %eq3A_23 : i32
    %convert_element_type3A_25 = arith.extui %eq3A_24 : i1 to i32
    %cond3A_26 = arith.constant 0 : i32
    %cond3A_27 = arith.cmpi ne, %convert_element_type3A_25, %cond3A_26 : i32
    scf.if %cond3A_27 {
      "tpu.region"() ({
        %run_scoped3A = tpu.sem_alloc : memref<!tpu.dma_semaphore, #tpu.memory_space<semaphore_mem>>
        %dma_start3A = arith.constant 0 : i32
        %dma_start3A_28 = arith.constant 0 : i32
        %dma_start3A_29 = tpu.memref_slice %arg9[%arg0, %dma_start3A, %dma_start3A_28] : memref<2x79x128xf32, #tpu.memory_space<hbm>> -> memref<1x79x128xf32, #tpu.memory_space<hbm>>
        %dma_start3A_30 = tpu.memref_squeeze %dma_start3A_29 : memref<1x79x128xf32, #tpu.memory_space<hbm>> -> memref<79x128xf32, #tpu.memory_space<hbm>>
        %dma_start3A_31 = arith.constant 0 : i32
        %dma_start3A_32 = arith.constant 0 : i32
        %dma_start3A_33 = tpu.memref_slice %arg9[%arg0, %dma_start3A_31, %dma_start3A_32] : memref<2x79x128xf32, #tpu.memory_space<hbm>> -> memref<1x79x128xf32, #tpu.memory_space<hbm>>
        %dma_start3A_34 = tpu.memref_squeeze %dma_start3A_33 : memref<1x79x128xf32, #tpu.memory_space<hbm>> -> memref<79x128xf32, #tpu.memory_space<hbm>>
        tpu.enqueue_dma source(%arg15 : memref<79x128xf32, #tpu.memory_space<vmem>>) target(%dma_start3A_34 : memref<79x128xf32, #tpu.memory_space<hbm>>) target_semaphore(%run_scoped3A : memref<!tpu.dma_semaphore, #tpu.memory_space<semaphore_mem>>)
        %dma_wait3A = arith.constant 0 : i32
        %dma_wait3A_35 = arith.constant 0 : i32
        %dma_wait3A_36 = tpu.memref_slice %arg9[%arg0, %dma_wait3A, %dma_wait3A_35] : memref<2x79x128xf32, #tpu.memory_space<hbm>> -> memref<1x79x128xf32, #tpu.memory_space<hbm>>
        %dma_wait3A_37 = tpu.memref_squeeze %dma_wait3A_36 : memref<1x79x128xf32, #tpu.memory_space<hbm>> -> memref<79x128xf32, #tpu.memory_space<hbm>>
        %dma_wait3A_38 = arith.constant 0 : i32
        %dma_wait3A_39 = arith.constant 0 : i32
        %dma_wait3A_40 = tpu.memref_slice %arg9[%arg0, %dma_wait3A_38, %dma_wait3A_39] : memref<2x79x128xf32, #tpu.memory_space<hbm>> -> memref<1x79x128xf32, #tpu.memory_space<hbm>>
        %dma_wait3A_41 = tpu.memref_squeeze %dma_wait3A_40 : memref<1x79x128xf32, #tpu.memory_space<hbm>> -> memref<79x128xf32, #tpu.memory_space<hbm>>
        tpu.wait_dma2 semaphore(%run_scoped3A : memref<!tpu.dma_semaphore, #tpu.memory_space<semaphore_mem>>) src(%arg15 : memref<79x128xf32, #tpu.memory_space<vmem>>) dst(%dma_wait3A_41 : memref<79x128xf32, #tpu.memory_space<hbm>>)
        tpu.yield
      }) : () -> ()
    } else {
    }
    return
  }
}

module attributes {stable_mosaic.version = 14 : i64} {
  func.func @_tc_a_body(%arg0: memref<10000x128xf32, #tpu.memory_space<vmem>>, %arg1: memref<128x2xf32, #tpu.memory_space<vmem>>, %arg2: memref<2x10112xf32, #tpu.memory_space<vmem>>) attributes {dimension_semantics = [], scalar_prefetch = 0 : i64, scratch_operands = 0 : i64, tpu.core_type = #tpu.core_type<tc>} {
    %get3A = arith.constant 0 : index
    %get3A_0 = arith.constant 0 : index
    %get3A_1 = vector.load %arg1[%get3A, %get3A_0] : memref<128x2xf32, #tpu.memory_space<vmem>>, vector<128x2xf32>
    %get3A_2 = arith.constant 0 : index
    %get3A_3 = arith.constant 0 : index
    %get3A_4 = vector.load %arg0[%get3A_2, %get3A_3] : memref<10000x128xf32, #tpu.memory_space<vmem>>, vector<10000x128xf32>
    %dot_general3A = arith.constant dense<0.000000e+00> : vector<2x10000xf32>
    %dot_general3A_5 = tpu.matmul %get3A_1, %get3A_4, %dot_general3A {dimension_numbers = #tpu.dot_dimension_numbers<[0], [1], [1], [0], [0, 1, 1, 0], [], []>, transpose_lhs_hint = false} : vector<128x2xf32>, vector<10000x128xf32>, vector<2x10000xf32> -> vector<2x10000xf32>
    %swap3A = arith.constant 0 : index
    %swap3A_6 = arith.constant 0 : index
    %swap3A_7 = vector.load %arg2[%swap3A, %swap3A_6] : memref<2x10112xf32, #tpu.memory_space<vmem>>, vector<2x10000xf32>
    tpu.vector_store %arg2[%swap3A, %swap3A_6], %dot_general3A_5 {strides = array<i32>} : memref<2x10112xf32, #tpu.memory_space<vmem>>, vector<2x10000xf32>,
    %broadcast_in_dim3A = arith.constant 0.000000e+00 : f32
    %broadcast_in_dim3A_8 = vector.broadcast %broadcast_in_dim3A : f32 to vector<2x112xf32>
    %swap3A_9 = arith.constant 0 : index
    %swap3A_10 = arith.constant 10000 : index
    %swap3A_11 = vector.load %arg2[%swap3A_9, %swap3A_10] : memref<2x10112xf32, #tpu.memory_space<vmem>>, vector<2x112xf32>
    tpu.vector_store %arg2[%swap3A_9, %swap3A_10], %broadcast_in_dim3A_8 {strides = array<i32>} : memref<2x10112xf32, #tpu.memory_space<vmem>>, vector<2x112xf32>,
    return
  }
}

module attributes {stable_mosaic.version = 14 : i64} {
  func.func @_tc_b_body(%arg0: memref<64x10112xf32, #tpu.memory_space<vmem>>, %arg1: memref<1x10112xf32, #tpu.memory_space<vmem>>, %arg2: memref<2x10112xf32, #tpu.memory_space<vmem>>, %arg3: memref<2xf32, #tpu.memory_space<smem>>, %arg4: memref<2xf32, #tpu.memory_space<smem>>, %arg5: memref<2xf32, #tpu.memory_space<smem>>, %arg6: memref<2x10112xf32, #tpu.memory_space<vmem>>) attributes {dimension_semantics = [], scalar_prefetch = 0 : i64, scratch_operands = 0 : i64, tpu.core_type = #tpu.core_type<tc>} {
    %get3A = arith.constant 0 : index
    %get3A_0 = arith.constant 0 : index
    %get3A_1 = vector.load %arg1[%get3A, %get3A_0] : memref<1x10112xf32, #tpu.memory_space<vmem>>, vector<1x10112xf32>
    %get3A_2 = arith.constant 0 : index
    %get3A_3 = arith.constant 0 : index
    %get3A_4 = vector.load %arg0[%get3A_2, %get3A_3] : memref<64x10112xf32, #tpu.memory_space<vmem>>, vector<32x10112xf32>
    %reduce_sum3A = arith.constant dense<0.000000e+00> : vector<10112xf32>
    %reduce_sum3A_5 = vector.multi_reduction <add>, %get3A_4, %reduce_sum3A [0] : vector<32x10112xf32> to vector<10112xf32>
    %broadcast_in_dim3A = vector.shape_cast %reduce_sum3A_5 : vector<10112xf32> to vector<1x10112xf32>
    %get3A_6 = arith.constant 32 : index
    %get3A_7 = arith.constant 0 : index
    %get3A_8 = vector.load %arg0[%get3A_6, %get3A_7] : memref<64x10112xf32, #tpu.memory_space<vmem>>, vector<32x10112xf32>
    %reduce_sum3A_9 = arith.constant dense<0.000000e+00> : vector<10112xf32>
    %reduce_sum3A_10 = vector.multi_reduction <add>, %get3A_8, %reduce_sum3A_9 [0] : vector<32x10112xf32> to vector<10112xf32>
    %broadcast_in_dim3A_11 = vector.shape_cast %reduce_sum3A_10 : vector<10112xf32> to vector<1x10112xf32>
    %get3A_12 = arith.constant 0 : index
    %get3A_13 = arith.constant 0 : index
    %get3A_14 = vector.load %arg2[%get3A_12, %get3A_13] : memref<2x10112xf32, #tpu.memory_space<vmem>>, vector<1x10112xf32>
    %mul3A = arith.mulf %get3A_1, %get3A_14 : vector<1x10112xf32>
    %add3A = arith.addf %broadcast_in_dim3A, %mul3A : vector<1x10112xf32>
    %mul3A_15 = arith.mulf %get3A_1, %add3A : vector<1x10112xf32>
    %get3A_16 = arith.constant 0 : index
    %get3A_17 = memref.load %arg3[%get3A_16] : memref<2xf32, #tpu.memory_space<smem>>
    %add3A_18 = vector.broadcast %get3A_17 : f32 to vector<1x10112xf32>
    %add3A_19 = arith.addf %mul3A_15, %add3A_18 : vector<1x10112xf32>
    %get3A_20 = arith.constant 1 : index
    %get3A_21 = arith.constant 0 : index
    %get3A_22 = vector.load %arg2[%get3A_20, %get3A_21] : memref<2x10112xf32, #tpu.memory_space<vmem>>, vector<1x10112xf32>
    %mul3A_23 = arith.mulf %get3A_1, %get3A_22 : vector<1x10112xf32>
    %add3A_24 = arith.addf %broadcast_in_dim3A_11, %mul3A_23 : vector<1x10112xf32>
    %mul3A_25 = arith.mulf %get3A_1, %add3A_24 : vector<1x10112xf32>
    %get3A_26 = arith.constant 1 : index
    %get3A_27 = memref.load %arg3[%get3A_26] : memref<2xf32, #tpu.memory_space<smem>>
    %add3A_28 = vector.broadcast %get3A_27 : f32 to vector<1x10112xf32>
    %add3A_29 = arith.addf %mul3A_25, %add3A_28 : vector<1x10112xf32>
    %sub3A = arith.subf %add3A_19, %add3A_29 : vector<1x10112xf32>
    %mul3A_30 = arith.constant 5.000000e-01 : f32
    %mul3A_31 = vector.broadcast %mul3A_30 : f32 to vector<1x10112xf32>
    %mul3A_32 = arith.mulf %mul3A_31, %sub3A : vector<1x10112xf32>
    %mul3A_33 = arith.mulf %mul3A_32, %mul3A_32 : vector<1x10112xf32>
    %add3A_34 = arith.constant 9.99999974E-6 : f32
    %add3A_35 = vector.broadcast %add3A_34 : f32 to vector<1x10112xf32>
    %add3A_36 = arith.addf %mul3A_33, %add3A_35 : vector<1x10112xf32>
    %rsqrt3A = math.rsqrt %add3A_36 : vector<1x10112xf32>
    %mul3A_37 = arith.mulf %mul3A_32, %rsqrt3A : vector<1x10112xf32>
    %get3A_38 = arith.constant 0 : index
    %get3A_39 = memref.load %arg4[%get3A_38] : memref<2xf32, #tpu.memory_space<smem>>
    %mul3A_40 = vector.broadcast %get3A_39 : f32 to vector<1x10112xf32>
    %mul3A_41 = arith.mulf %mul3A_37, %mul3A_40 : vector<1x10112xf32>
    %get3A_42 = arith.constant 0 : index
    %get3A_43 = memref.load %arg5[%get3A_42] : memref<2xf32, #tpu.memory_space<smem>>
    %add3A_44 = vector.broadcast %get3A_43 : f32 to vector<1x10112xf32>
    %add3A_45 = arith.addf %mul3A_41, %add3A_44 : vector<1x10112xf32>
    %neg3A = arith.constant 0.000000e+00 : f32
    %neg3A_46 = vector.broadcast %neg3A : f32 to vector<1x10112xf32>
    %neg3A_47 = arith.subf %neg3A_46, %mul3A_32 : vector<1x10112xf32>
    %mul3A_48 = arith.mulf %neg3A_47, %rsqrt3A : vector<1x10112xf32>
    %get3A_49 = arith.constant 1 : index
    %get3A_50 = memref.load %arg4[%get3A_49] : memref<2xf32, #tpu.memory_space<smem>>
    %mul3A_51 = vector.broadcast %get3A_50 : f32 to vector<1x10112xf32>
    %mul3A_52 = arith.mulf %mul3A_48, %mul3A_51 : vector<1x10112xf32>
    %get3A_53 = arith.constant 1 : index
    %get3A_54 = memref.load %arg5[%get3A_53] : memref<2xf32, #tpu.memory_space<smem>>
    %add3A_55 = vector.broadcast %get3A_54 : f32 to vector<1x10112xf32>
    %add3A_56 = arith.addf %mul3A_52, %add3A_55 : vector<1x10112xf32>
    %max3A = arith.constant 0.000000e+00 : f32
    %max3A_57 = vector.broadcast %max3A : f32 to vector<1x10112xf32>
    %max3A_58 = arith.maximumf %add3A_45, %max3A_57 : vector<1x10112xf32>
    %mul3A_59 = arith.mulf %get3A_1, %max3A_58 : vector<1x10112xf32>
    %swap3A = arith.constant 0 : index
    %swap3A_60 = arith.constant 0 : index
    %swap3A_61 = vector.load %arg6[%swap3A, %swap3A_60] : memref<2x10112xf32, #tpu.memory_space<vmem>>, vector<1x10112xf32>
    tpu.vector_store %arg6[%swap3A, %swap3A_60], %mul3A_59 {strides = array<i32>} : memref<2x10112xf32, #tpu.memory_space<vmem>>, vector<1x10112xf32>,
    %max3A_62 = arith.constant 0.000000e+00 : f32
    %max3A_63 = vector.broadcast %max3A_62 : f32 to vector<1x10112xf32>
    %max3A_64 = arith.maximumf %add3A_56, %max3A_63 : vector<1x10112xf32>
    %mul3A_65 = arith.mulf %get3A_1, %max3A_64 : vector<1x10112xf32>
    %swap3A_66 = arith.constant 1 : index
    %swap3A_67 = arith.constant 0 : index
    %swap3A_68 = vector.load %arg6[%swap3A_66, %swap3A_67] : memref<2x10112xf32, #tpu.memory_space<vmem>>, vector<1x10112xf32>
    tpu.vector_store %arg6[%swap3A_66, %swap3A_67], %mul3A_65 {strides = array<i32>} : memref<2x10112xf32, #tpu.memory_space<vmem>>, vector<1x10112xf32>,
    return
  }
}

module attributes {stable_mosaic.version = 14 : i64} {
  func.func @_tc_c_body(%arg0: memref<64x10112xf32, #tpu.memory_space<vmem>>, %arg1: memref<1x10112xf32, #tpu.memory_space<vmem>>, %arg2: memref<2x10112xf32, #tpu.memory_space<vmem>>, %arg3: memref<2x128xf32, #tpu.memory_space<vmem>>, %arg4: memref<128xf32, #tpu.memory_space<vmem>>, %arg5: memref<1x10112xf32, #tpu.memory_space<vmem>>, %arg6: memref<10000x128xf32, #tpu.memory_space<vmem>>) attributes {dimension_semantics = [], scalar_prefetch = 0 : i64, scratch_operands = 0 : i64, tpu.core_type = #tpu.core_type<tc>} {
    %get3A = arith.constant 0 : index
    %get3A_0 = arith.constant 0 : index
    %get3A_1 = vector.load %arg1[%get3A, %get3A_0] : memref<1x10112xf32, #tpu.memory_space<vmem>>, vector<1x10112xf32>
    %get3A_2 = arith.constant 0 : index
    %get3A_3 = arith.constant 0 : index
    %get3A_4 = vector.load %arg0[%get3A_2, %get3A_3] : memref<64x10112xf32, #tpu.memory_space<vmem>>, vector<32x10112xf32>
    %reduce_sum3A = arith.constant dense<0.000000e+00> : vector<10112xf32>
    %reduce_sum3A_5 = vector.multi_reduction <add>, %get3A_4, %reduce_sum3A [0] : vector<32x10112xf32> to vector<10112xf32>
    %broadcast_in_dim3A = vector.shape_cast %reduce_sum3A_5 : vector<10112xf32> to vector<1x10112xf32>
    %get3A_6 = arith.constant 32 : index
    %get3A_7 = arith.constant 0 : index
    %get3A_8 = vector.load %arg0[%get3A_6, %get3A_7] : memref<64x10112xf32, #tpu.memory_space<vmem>>, vector<32x10112xf32>
    %reduce_sum3A_9 = arith.constant dense<0.000000e+00> : vector<10112xf32>
    %reduce_sum3A_10 = vector.multi_reduction <add>, %get3A_8, %reduce_sum3A_9 [0] : vector<32x10112xf32> to vector<10112xf32>
    %broadcast_in_dim3A_11 = vector.shape_cast %reduce_sum3A_10 : vector<10112xf32> to vector<1x10112xf32>
    %get3A_12 = arith.constant 0 : index
    %get3A_13 = arith.constant 0 : index
    %get3A_14 = vector.load %arg5[%get3A_12, %get3A_13] : memref<1x10112xf32, #tpu.memory_space<vmem>>, vector<1x10112xf32>
    %mul3A = arith.mulf %get3A_14, %get3A_1 : vector<1x10112xf32>
    %get3A_15 = arith.constant 0 : index
    %get3A_16 = arith.constant 0 : index
    %get3A_17 = vector.load %arg2[%get3A_15, %get3A_16] : memref<2x10112xf32, #tpu.memory_space<vmem>>, vector<1x10112xf32>
    %add3A = arith.addf %broadcast_in_dim3A, %get3A_17 : vector<1x10112xf32>
    %mul3A_18 = arith.mulf %mul3A, %add3A : vector<1x10112xf32>
    %mul3A_19 = arith.mulf %get3A_14, %get3A_1 : vector<1x10112xf32>
    %get3A_20 = arith.constant 1 : index
    %get3A_21 = arith.constant 0 : index
    %get3A_22 = vector.load %arg2[%get3A_20, %get3A_21] : memref<2x10112xf32, #tpu.memory_space<vmem>>, vector<1x10112xf32>
    %add3A_23 = arith.addf %broadcast_in_dim3A_11, %get3A_22 : vector<1x10112xf32>
    %mul3A_24 = arith.mulf %mul3A_19, %add3A_23 : vector<1x10112xf32>
    %broadcast_in_dim3A_25 = arith.constant 0.000000e+00 : f32
    %broadcast_in_dim3A_26 = vector.broadcast %broadcast_in_dim3A_25 : f32 to vector<5x10112xf32>
    %concatenate3A = tpu.concatenate %mul3A_18, %mul3A_24, %get3A_14, %broadcast_in_dim3A_26 in 0 : vector<1x10112xf32>, vector<1x10112xf32>, vector<1x10112xf32>, vector<5x10112xf32> -> vector<8x10112xf32>
    %get3A_27 = arith.constant 0 : index
    %get3A_28 = arith.constant 0 : index
    %get3A_29 = vector.load %arg3[%get3A_27, %get3A_28] : memref<2x128xf32, #tpu.memory_space<vmem>>, vector<2x128xf32>
    %get3A_30 = arith.constant 0 : index
    %get3A_31 = vector.load %arg4[%get3A_30] : memref<128xf32, #tpu.memory_space<vmem>>, vector<128xf32>
    %reshape3A = vector.shape_cast %get3A_31 : vector<128xf32> to vector<1x128xf32>
    %broadcast_in_dim3A_32 = arith.constant 0.000000e+00 : f32
    %broadcast_in_dim3A_33 = vector.broadcast %broadcast_in_dim3A_32 : f32 to vector<5x128xf32>
    %concatenate3A_34 = tpu.concatenate %get3A_29, %reshape3A, %broadcast_in_dim3A_33 in 0 : vector<2x128xf32>, vector<1x128xf32>, vector<5x128xf32> -> vector<8x128xf32>
    %dot_general3A = arith.constant dense<0.000000e+00> : vector<10112x128xf32>
    %dot_general3A_35 = tpu.matmul %concatenate3A, %concatenate3A_34, %dot_general3A {dimension_numbers = #tpu.dot_dimension_numbers<[0], [0], [1], [1], [0, 1, 1, 1], [], []>, transpose_lhs_hint = false} : vector<8x10112xf32>, vector<8x128xf32>, vector<10112x128xf32> -> vector<10112x128xf32>
    %slice3A = vector.extract_strided_slice %dot_general3A_35 {offsets = [0, 0], sizes = [10000, 128], strides = [1, 1]} : vector<10112x128xf32> to vector<10000x128xf32>
    %max3A = arith.constant 0.000000e+00 : f32
    %max3A_36 = vector.broadcast %max3A : f32 to vector<10000x128xf32>
    %max3A_37 = arith.maximumf %slice3A, %max3A_36 : vector<10000x128xf32>
    %swap3A = arith.constant 0 : index
    %swap3A_38 = arith.constant 0 : index
    %swap3A_39 = vector.load %arg6[%swap3A, %swap3A_38] : memref<10000x128xf32, #tpu.memory_space<vmem>>, vector<10000x128xf32>
    tpu.vector_store %arg6[%swap3A, %swap3A_38], %max3A_37 {strides = array<i32>} : memref<10000x128xf32, #tpu.memory_space<vmem>>, vector<10000x128xf32>,
    return
  }
}

</mosaic_0001>

<sc_bundles>
// kernel: kernel.10.cloned.1.call-start
scs
__scs_entry_jumppad:
0x0: {  	(pc) =	sbr.rel $0x88, $3  }
0x1: {  	(tag) =	ssettag $0x0;
	lr =	simm.s32 $0x1  }
0x2: {  	[smem:$0x3F98] =	sst lr;
	_ =	strace $0xD0000000  }
0x3: {  	_ = 	snop  }
0x4: {  	_ = 	snop  }
0x5: {  	_ = 	snop  }
0x6: {  	_ = 	snop  }
0x7: {  	_ = 	snop  }
__scs_overlays_trampoline_lowered:
0x8: {  	[smem:$0x3FA7] =	sst s0  }
0x9: {  	[smem:$0x3FA8] =	sst s1  }
0xa: {  	[smem:$0x3FA9] =	sst s2  }
0xb: {  	[smem:$0x3FAA] =	sst s3  }
0xc: {  	[smem:$0x3FAB] =	sst s4  }
0xd: {  	[smem:$0x3FAC] =	sst s5  }
0xe: {  	[smem:$0x3FAD] =	sst s6  }
0xf: {  	[smem:$0x3FAE] =	sst s7  }
0x10: {  	[smem:$0x3FAF] =	sst s8  }
0x11: {  	[smem:$0x3FB0] =	sst s9;
	s0 =	simm.s32 @!p0 $0x0  }
0x12: {  	s1 =	sld [smem:$0x3F96];
	s0 =	simm.s32 @p0 $0x1  }
0x13: {  	[smem:$0x3FB1] =	sst s0;
	s0 =	simm.s32 @!p1 $0x0  }
0x14: {  	s2 =	sld [smem:$0x3F95];
	s0 =	simm.s32 @p1 $0x1  }
0x15: {  	[smem:$0x3FB2] =	sst s0;
	s0 =	simm.s32 @!p2 $0x0  }
0x16: {  	s3 =	sld [smem:$0x3FDB];
	s0 =	simm.s32 @p2 $0x1  }
0x17: {  	s4 =	simm.s32 $0x1BF5;
	[smem:$0x3FB4] =	sst s0  }
0x18: {  	s0 =	sld [smem:$0x3F97];
	_ =	swait.ge [sflag:s4], $0x0  }
0x19: {  	s7 =	sld [smem:$0x3F98]  }
0x1a: {  	s8 =	sadd.s32 $0xFFFFE003, lr  }
0x1b: {  	s9 =	sadd.s32 $0xFFFFFEF7, lr;
	s5 =	simm.s32 $0xFFFFFFFF;
	p2 =	slt.u32 s8, $0xFFFFF086  }
0x1c: {  	p1 =	slt.u32 s9, $0xF7A;
	s5 =	simm.s32 @!p2 $0x0  }
0x1d: {  	s5 =	simm.s32 @p1 $0x1;
	p0 =	seq.s32 s7, s2  }
0x1e: {  	s7 =	smul.u32 @!p0 $0xF7A, s2;
	p2 =	seq.s32 @!p0 s5, $0x0  }
0x1f: {  	s9 =	smul.u32 $0xF7A, s1;
	s8 =	simm.s32 @!p0 $0x1BF5;
	p2 =	por !p2, p0  }
0x20: {  	[sflag:s8] =	ssyncset.s32 @!p0 $0xFFFFF086;
	s6 =	sadd.s32 @!p0 s3, s7;
	s7 =	simm.s32 @!p0 $0x108  }
0x21: {  	s3 =	sadd.s32 s3, s9;
	s6 =	sadd.s32 @!p0 $0x88, s6;
	s7 =	simm.s32 @p2 $0x1082  }
0x22: {  	[simem:s7], [sflag:s8] =	dma.local @!p0 [hbm:s6], $0xF7A  }
0x23: {  	s9 =	sor.u32 $0xD0000000, s2;
	s6 =	simm.s32 $0x108;
	_ =	swait.ge @!p0 [sflag:s8], $0x0  }
0x24: {  	s3 =	sadd.s32 $0x88, s3;
	s6 =	simm.s32 @!p1 $0x1082;
	[sflag:s4] =	ssyncset.s32 $0xFFFFF086  }
0x25: {  	[simem:s6], [sflag:s4] =	dma.local [hbm:s3], $0xF7A  }
0x26: {  	[smem:$0x3F98] =	sst s1;
	(tag) =	ssettag s2;
	_ =	strace s9  }
0x27: {  	s1 =	sld [smem:$0x3FA8]  }
0x28: {  	s2 =	sld [smem:$0x3FA9]  }
0x29: {  	s4 =	sld [smem:$0x3FAB]  }
0x2a: {  	p0 =	seq.s32 s5, $0x0;
	s5 =	sld [smem:$0x3FAC]  }
0x2b: {  	s6 =	sld [smem:$0x3FAD]  }
0x2c: {  	s7 =	sld [smem:$0x3FAE]  }
0x2d: {  	s3 =	simm.s32 $0x108;
	s8 =	sld [smem:$0x3FAF]  }
0x2e: {  	s3 =	simm.s32 @!p0 $0x1082;
	s9 =	sld [smem:$0x3FB0]  }
0x2f: {  	lr =	sadd.s32 s0, s3;
	s0 =	sld [smem:$0x3FA7]  }
0x30: {  	s3 =	sld [smem:$0x3FAA]  }
0x31: {  	[smem:$0x3FB3] =	sst s10  }
0x32: {  	s10 =	sld [smem:$0x3FB1];
	_ =	sdelay $0x3  }
0x33: {  	p0 =	seq.s32 s10, $0x1;
	s10 =	sld [smem:$0x3FB3];
	_ =	sdelay $0x3  }
0x34: {  	[smem:$0x3FB3] =	sst s10  }
0x35: {  	s10 =	sld [smem:$0x3FB2];
	_ =	sdelay $0x3  }
0x36: {  	p1 =	seq.s32 s10, $0x1;
	s10 =	sld [smem:$0x3FB3];
	_ =	sdelay $0x3  }
0x37: {  	[smem:$0x3FB3] =	sst s10  }
0x38: {  	s10 =	sld [smem:$0x3FB4]  }
0x39: {  	_ = 	snop;
	(pc) =	sbr.ind lr, $3  }
0x3a: {  	_ = 	snop  }
0x3b: {  	_ = 	snop  }
0x3c: {  	p2 =	seq.s32 s10, $0x1;
	s10 =	sld [smem:$0x3FB3]  }
0x3d: {  	_ =	shalt  }
0x3e: {  	_ =	shalt  }
0x3f: {  	_ =	shalt  }
0x40: {  	_ =	shalt  }
0x41: {  	_ =	shalt  }
0x42: {  	_ =	shalt  }
0x43: {  	_ =	shalt  }
0x44: {  	_ =	shalt  }
0x45: {  	_ =	shalt  }
0x46: {  	_ =	shalt  }
0x47: {  	_ =	shalt  }
0x48: {  	_ =	shalt  }
0x49: {  	_ =	shalt  }
0x4a: {  	_ =	shalt  }
0x4b: {  	_ =	shalt  }
0x4c: {  	_ =	shalt  }
0x4d: {  	_ =	shalt  }
0x4e: {  	_ =	shalt  }
0x4f: {  	_ =	shalt  }
0x50: {  	_ =	shalt  }
0x51: {  	_ =	shalt  }
0x52: {  	_ =	shalt  }
0x53: {  	_ =	shalt  }
0x54: {  	_ =	shalt  }
0x55: {  	_ =	shalt  }
0x56: {  	_ =	shalt  }
0x57: {  	_ =	shalt  }
0x58: {  	_ =	shalt  }
0x59: {  	_ =	shalt  }
0x5a: {  	_ =	shalt  }
0x5b: {  	_ =	shalt  }
0x5c: {  	_ =	shalt  }
0x5d: {  	_ =	shalt  }
0x5e: {  	_ =	shalt  }
0x5f: {  	_ =	shalt  }
0x60: {  	_ =	shalt  }
0x61: {  	_ =	shalt  }
0x62: {  	_ =	shalt  }
0x63: {  	_ =	shalt  }
0x64: {  	_ =	shalt  }
0x65: {  	_ =	shalt  }
0x66: {  	_ =	shalt  }
0x67: {  	_ =	shalt  }
0x68: {  	_ =	shalt  }
0x69: {  	_ =	shalt  }
0x6a: {  	_ =	shalt  }
0x6b: {  	_ =	shalt  }
0x6c: {  	_ =	shalt  }
0x6d: {  	_ =	shalt  }
0x6e: {  	_ =	shalt  }
0x6f: {  	_ =	shalt  }
0x70: {  	_ =	shalt  }
0x71: {  	_ =	shalt  }
0x72: {  	_ =	shalt  }
0x73: {  	_ =	shalt  }
0x74: {  	_ =	shalt  }
0x75: {  	_ =	shalt  }
0x76: {  	_ =	shalt  }
0x77: {  	_ =	shalt  }
0x78: {  	_ =	shalt  }
0x79: {  	_ =	shalt  }
0x7a: {  	_ =	shalt  }
0x7b: {  	_ =	shalt  }
0x7c: {  	_ =	shalt  }
0x7d: {  	_ =	shalt  }
0x7e: {  	_ =	shalt  }
0x7f: {  	_ =	shalt  }
0x80: {  	_ =	shalt  }
0x81: {  	_ =	shalt  }
0x82: {  	_ =	shalt  }
0x83: {  	_ =	shalt  }
0x84: {  	_ =	shalt  }
0x85: {  	_ =	shalt  }
0x86: {  	_ =	shalt  }
0x87: {  	_ =	shalt  }
.Lfunc_end0:
.L_simem_size_0:
called_computation.1_lowered:
.L_overlay_start_0:
0x88: {  	s2 =	sld [smem:$0x3FD9]  }
0x89: {  	s3 =	sld [smem:$0x3FFE];
	_ =	sdelay $0x1  }
0x8a: {  	s1 =	srdreg.scid  }
0x8b: {  	s0 =	sand.u32 $0x1, s1  }
0x8c: {  	s17 =	sshll.u32 s0, $0xA;
	s2 =	sadd.s32 s3, s2  }
0x8d: {  	s2 =	sadd.s32 s2, s17  }
0x8e: {  	[smem:$0x3FBF] =	sst s2  }
0x8f: {  	_ = 	snop  }
0x90: {  	s2 =	sld [smem:$0x3FD0];
	(tm) =	ssettm $0x1  }
0x91: {  	s18 =	sld [smem:$0x3FFB];
	_ =	sdelay $0x3  }
0x92: {  	_ =	strace s18  }
0x93: {  	s3 =	sld [smem:$0x3FFC];
	_ =	sdelay $0x3  }
0x94: {  	_ =	strace s3  }
0x95: {  	s3 =	sld [smem:$0x3FFD];
	_ =	sdelay $0x3  }
0x96: {  	_ =	strace s3  }
0x97: {  	_ =	strace $0x8FFFFFFF  }
0x98: {  	s19 =	sld [smem:$0x3FDB];
	_ =	sdelay $0x1  }
0x99: {  	s4 =	simm.s32 $_scs_section_size  }
0x9a: {  	s5 =	simm.s32 $_size__tile_overlayer_lowered;
	s6 =	simm.s32 $_tile_overlayer_lowered  }
0x9b: {  	s22 =	simm.s32 $0x1BFF;
	s21 =	sshll.u32 s6, $0x1;
	s3 =	sadd.s32 s4, s19  }
0x9c: {  	s7 =	simm.s32 $0x0;
	s20 =	sshll.u32 s5, $0x1;
	s5 =	sadd.s32 s21, s3  }
0x9d: {  	[timem:s7], [sflag:s22] =	dma.local [hbm:s5], s20  }
0x9e: {  	_ =	swait.ge [sflag:s22], s20  }
0x9f: {  	s4 =	ssub.s32 $0x0, s20;
	[sflag:s22] =	ssyncset.done $0x0  }
0xa0: {  	[sflag:s22] =	ssyncadd.s32 s4;
	_ =	sdelay $0x1  }
0xa1: {  	s23 =	simm.s32 $0x1B8B  }
0xa2: {  	_ =	swait.ge [sflag:s23], $0x1  }
0xa3: {  	[sflag:s23] =	ssyncset.done $0x0  }
0xa4: {  	s25 =	simm.s32 $0x1B8E;
	s24 =	sld [smem:$0x3FFE];
	[sflag:s23] =	ssyncadd.s32 $0xFFFFFFFF  }
0xa5: {  	s26 =	simm.s32 $execute0_lowered;
	[smem:$0x3FD2] =	sst s25  }
0xa6: {  	s5 =	sshll.u32 s26, $0x1;
	_ =	strace $0x80000049;
	[dreg:$0x1] =	wrdreg $0xFFFFFFFF  }
0xa7: {  	s28 =	simm.s32 $_size_execute0_lowered;
	s3 =	sadd.s32 s3, s5;
	[dreg:$0x0] =	wrdreg $0x0  }
0xa8: {  	s5 =	sshll.u32 s28, $0x1;
	[dreg:$0x2] =	wrdreg s3  }
0xa9: {  	[dreg:$0x3] =	wrdreg s5  }
0xaa: {  	[dreg:$0x4] =	wrdreg $0xC0  }
0xab: {  	_ =	task [dreg:s7], $0x5FFFF  }
0xac: {  	[dreg:$0x1] =	wrdreg $0xFFFFFFFF  }
0xad: {  	[dreg:$0x0] =	wrdreg $0x60  }
0xae: {  	[dreg:$0x2] =	wrdreg s24  }
0xaf: {  	[dreg:$0x3] =	wrdreg s2  }
0xb0: {  	[dreg:$0x4] =	wrdreg $0x9  }
0xb1: {  	_ =	task.clear_ibuf [dreg:s7], $0x5FFFF;
	_ =	strace $0x90000049  }
0xb2: {  	s29 =	simm.s32 $0x9;
	_ =	strace $0x8000004B  }
0xb3: {  	_ =	swait.ge [sflag:s29], $0x1  }
0xb4: {  	[sflag:s29] =	ssyncadd.s32 $0xFFFFFFFF  }
0xb5: {  	_ =	strace $0x9000004B  }
0xb6: {  	_ =	sfence  }
0xb7: {  	s30 =	sld [smem:$0x0];
	_ =	sdelay $0x2  }
0xb8: {  	s31 =	sshll.u32 s1, $0xD;
	s1 =	sshrl.u32 s1, $0x2  }
0xb9: {  	s3 =	sand.u32 $0x4000, s31;
	s1 =	sadd.s32 s1, s30  }
0xba: {  	s0 =	sor.u32 s3, s0;
	s1 =	sshll.u32 s1, $0x11  }
0xbb: {  	s0 =	sor.u32 s1, s0  }
0xbc: {  	s0 =	sadd.s32 $0x8F2B, s0  }
0xbd: {  	[sflag:s0] =	ssyncadd.remote.s32 $0x1  }
0xbe: {  	_ =	sfence.sel $0xFFFF  }
0xbf: {  	[dreg:$0x0] =	wrdreg $0xFFFFFFFF;
	(pc) =	sbr.abs _section_cstart, $3  }
0xc0: {  	[dreg:$0x1] =	wrdreg $0xFFFFFFFF  }
0xc1: {  	_ =	task.clear_ibuf [dreg:s7], $0x2FFFF;
	_ =	strace $0x9FFFFFFF  }
0xc2: {  	(tm) =	ssettm $0x7FFFFFFF  }
0xc3: {  	_ =	shalt  }
tec
execute0_lowered:
.L_overlay_start_1:
0x0: {  	(tag) =	ssettag $0x1  }
0x1: {  	s4 =	rddreg [dreg:$0x0]  }
0x2: {  	s1 =	srdreg.scid;
	s0 =	stileid.u32  }
0x3: {  	s8 =	rddreg [dreg:$0x1];
	s2 =	simm.s32 $0x0;
	s11 =	simm.s32 $0x2780  }
0x4: {  	s12 =	simm.s32 $0x4F00;
	s13 =	simm.s32 $0x9E00;
	s14 =	simm.s32 $0x80  }
0x5: {  	s15 =	simm.s32 $0x400;
	s16 =	simm.s32 $0xC580;
	s17 =	simm.s32 $0x0  }
0x6: {  	s5 =	sand.u32 $0x1, s1;
	s3 =	sshll.u32 s0, $0x1;
	s1 =	rddreg [dreg:$0x2]  }
0x7: {  	[smem:$0x7FF] =	sst s2;
	s7 =	sshrl.u32 s0, $0x2;
	s3 =	sor.u32 s5, s3  }
0x8: {  	_ =	strace $0x8000004A;
	s7 =	smul.u32 $0x13C00, s7;
	s5 =	ssub.s32 $0x2, s5  }
0x9: {  	s6 =	smul.u32 $0x4E2, s3;
	s9 =	sshll.u32 s3, $0x7;
	s10 =	sshrl.u32 s5, $0x1  }
0xa: {  	s3 =	sadd.s32 $0x1800, s4;
	s9 =	sand.u32 $0x380, s9;
	s30 =	ssub.s32 s5, s10  }
0xb: {  	s6 =	sadd.s32 s6, s4;
	s7 =	sor.u32 s7, s9;
	s4 =	sadd.s32 $0x16600, s4  }
0xc: {  	s9 =	smax.u32 s30, $0x1;
	s31 =	sadd.s32 $0x4F000, s7;
	s5 =	sadd.s32 $0xC000, s6  }
0xd: {  	s7 =	sshrl.u32 s7, $0x3;
	s6 =	sadd.s32 $0x2200, s6;
	s10 =	sshrl.u32 s31, $0x3  }
0xe: {  	s7 =	sadd.s32 s8, s7;
	s8 =	sadd.s32 s8, s10;
	s10 =	simm.s32 $0x1  }
.LBB2_1:
0xf: {  	[tilespmem:s2], [sflag:$0x1] =	stream.linear.gather [hbm4b:s5+s2], $0x2710, $0x38;
	[tilespmem:$0xED00] =	vst v63  }
0x10: {  	_ =	swait.ge [sflag:s10], $0x2710  }
0x11: {  	[sflag:s10] =	ssyncset.done $0x0  }
0x12: {  	[sflag:s10] =	ssyncadd.s32 $0xFFFFD8F0  }
0x13: {  	[tilespmem:s11], [sflag:$0x1] =	stream.linear.gather [hbm4b:s6+s2], $0x2710, $0x38;
	[tilespmem:$0xED00] =	vst v63  }
0x14: {  	_ =	swait.ge [sflag:s10], $0x2710  }
0x15: {  	[sflag:s10] =	ssyncset.done $0x0  }
0x16: {  	[sflag:s10] =	ssyncadd.s32 $0xFFFFD8F0  }
0x17: {  	[tilespmem:s12], [sflag:$0x1] =	stream.linear.gather [hbm4b:s3+s2], $0x4F00, $0x38;
	[tilespmem:$0xED00] =	vst v63  }
0x18: {  	_ =	swait.ge [sflag:s10], $0x4F00  }
0x19: {  	[sflag:s10] =	ssyncset.done $0x0  }
0x1a: {  	[sflag:s10] =	ssyncadd.s32 $0xFFFFB100  }
0x1b: {  	[tilespmem:s13], [sflag:$0x1] =	stream.linear.gather [hbm4b:s4+s2], $0x4F00, $0x38;
	[tilespmem:$0xED00] =	vst v63  }
0x1c: {  	_ =	swait.ge [sflag:s10], $0x4F00  }
0x1d: {  	[sflag:s10] =	ssyncset.done $0x0  }
0x1e: {  	s18 =	simm.s32 $0x27C0;
	[sflag:s10] =	ssyncadd.s32 $0xFFFFB100  }
0x1f: {  	v0 =	vld [tilespmem:s18+$0xFFFFFFD0]  }
0x20: {  	v2 =	vld [tilespmem:s18+$0xFFFFFFF0]  }
0x21: {  	v1 =	vld [tilespmem:s18+$0xFFFFFFE0]  }
0x22: {  	v3 =	vld [tilespmem:s18+$0x0]  }
0x23: {  	v4 =	vld [tilespmem:s18+$0x10]  }
0x24: {  	v15 =	vld [tilespmem:s18+$0x20]  }
0x25: {  	v8 =	vld [tilespmem:s18+$0x30]  }
0x26: {  	s19 =	simm.s32 $0x40;
	v7 =	vld [tilespmem:s18+$0xFFFFFFC0]  }
0x27: {  	v9 =	vld [tilespmem:s19+$0xFFFFFFC0]  }
0x28: {  	v10 =	vld [tilespmem:s19+$0x30]  }
0x29: {  	v11 =	vld [tilespmem:s19+$0x20]  }
0x2a: {  	v12 =	vld [tilespmem:s19+$0x10]  }
0x2b: {  	v13 =	vld [tilespmem:s19+$0x0]  }
0x2c: {  	v16 =	vld [tilespmem:s19+$0xFFFFFFF0]  }
0x2d: {  	v6 =	vld [tilespmem:s19+$0xFFFFFFE0]  }
0x2e: {  	v5 =	vld [tilespmem:s19+$0xFFFFFFD0]  }
0x2f: {  	v14 =	vadd.s32 $0x2780, v9;
	v9 =	vld.idx.msk [tilespmem:v9+s12+$0x0], $0xffff  }
0x30: {  	v17 =	vadd.s32 $0x2780, v10;
	v18 =	vld.idx.msk [tilespmem:v10+s12+$0x0], $0xffff  }
0x31: {  	v19 =	vadd.s32 $0x2780, v11;
	v20 =	vld.idx.msk [tilespmem:v11+s12+$0x0], $0xffff  }
0x32: {  	v10 =	vld.idx.msk [tilespmem:v12+s12+$0x0], $0xffff  }
0x33: {  	v11 =	vld.idx.msk [tilespmem:v13+s12+$0x0], $0xffff  }
0x34: {  	v21 =	vld.idx.msk [tilespmem:v14+s12+$0x0], $0xffff  }
0x35: {  	v17 =	vld.idx.msk [tilespmem:v17+s12+$0x0], $0xffff  }
0x36: {  	v22 =	vadd.s32 $0x2780, v7;
	v14 =	vld.idx.msk [tilespmem:v19+s12+$0x0], $0xffff  }
0x37: {  	v19 =	vadd.s32 $0x2780, v12;
	[tilespmem:v7+s13+$0x0] =	vst.idx.add.f32.msk $0xffff, v9  }
0x38: {  	v9 =	vadd.s32 $0x2780, v8;
	v7 =	vld.idx.msk [tilespmem:v16+s12+$0x0], $0xffff  }
0x39: {  	[tilespmem:v8+s13+$0x0] =	vst.idx.add.f32.msk $0xffff, v18  }
0x3a: {  	[tilespmem:v15+s13+$0x0] =	vst.idx.add.f32.msk $0xffff, v20;
	v8 =	vadd.s32 $0x2780, v13;
	v13 =	vadd.s32 $0x2780, v16;
	v16 =	vadd.s32 $0x2780, v15  }
0x3b: {  	[tilespmem:v22+s13+$0x0] =	vst.idx.add.f32.msk $0xffff, v21  }
0x3c: {  	v15 =	vld.idx.msk [tilespmem:v19+s12+$0x0], $0xffff  }
0x3d: {  	s20 =	simm.s32 $0x0;
	v12 =	vadd.s32 $0x2780, v6;
	[tilespmem:v9+s13+$0x0] =	vst.idx.add.f32.msk $0xffff, v17;
	v9 =	vadd.s32 $0x2780, v5  }
.LBB2_2:
0x3e: {  	s20 =	sadd.s32 $0x8, s20;
	v6 =	vld.idx.msk [tilespmem:v6+s12+$0x0], $0xffff;
	s19 =	sadd.s32 $0x80, s19;
	s18 =	sadd.s32 $0x80, s18  }
0x3f: {  	p0 =	slt.u32 s20, $0x268;
	[tilespmem:v16+s13+$0x0] =	vst.idx.add.f32.msk $0xffff, v14  }
0x40: {  	v14 =	vadd.s32 $0x2780, v4;
	v13 =	vld.idx.msk [tilespmem:v13+s12+$0x0], $0xffff  }
0x41: {  	[tilespmem:v4+s13+$0x0] =	vst.idx.add.f32.msk $0xffff, v10  }
0x42: {  	v4 =	vld.idx.msk [tilespmem:v8+s12+$0x0], $0xffff  }
0x43: {  	[tilespmem:v3+s13+$0x0] =	vst.idx.add.f32.msk $0xffff, v11  }
0x44: {  	v8 =	vld.idx.msk [tilespmem:v12+s12+$0x0], $0xffff  }
0x45: {  	v10 =	vadd.s32 $0x2780, v1;
	[tilespmem:v14+s13+$0x0] =	vst.idx.add.f32.msk $0xffff, v15  }
0x46: {  	v3 =	vadd.s32 $0x2780, v3;
	v9 =	vld.idx.msk [tilespmem:v9+s12+$0x0], $0xffff  }
0x47: {  	v11 =	vadd.s32 $0x2780, v2;
	v5 =	vld.idx.msk [tilespmem:v5+s12+$0x0], $0xffff  }
0x48: {  	v12 =	vadd.s32 $0x2780, v0;
	[tilespmem:v2+s13+$0x0] =	vst.idx.add.f32.msk $0xffff, v7  }
0x49: {  	[tilespmem:v1+s13+$0x0] =	vst.idx.add.f32.msk $0xffff, v6  }
0x4a: {  	[tilespmem:v10+s13+$0x0] =	vst.idx.add.f32.msk $0xffff, v8  }
0x4b: {  	[tilespmem:v3+s13+$0x0] =	vst.idx.add.f32.msk $0xffff, v4  }
0x4c: {  	[tilespmem:v11+s13+$0x0] =	vst.idx.add.f32.msk $0xffff, v13  }
0x4d: {  	[tilespmem:v0+s13+$0x0] =	vst.idx.add.f32.msk $0xffff, v5  }
0x4e: {  	[tilespmem:v12+s13+$0x0] =	vst.idx.add.f32.msk $0xffff, v9  }
0x4f: {  	v0 =	vld [tilespmem:s18+$0xFFFFFFD0]  }
0x50: {  	v2 =	vld [tilespmem:s18+$0xFFFFFFF0]  }
0x51: {  	v1 =	vld [tilespmem:s18+$0xFFFFFFE0]  }
0x52: {  	v3 =	vld [tilespmem:s18+$0x0]  }
0x53: {  	v4 =	vld [tilespmem:s18+$0x10]  }
0x54: {  	v15 =	vld [tilespmem:s18+$0x20]  }
0x55: {  	v16 =	vld [tilespmem:s18+$0x30]  }
0x56: {  	v7 =	vld [tilespmem:s18+$0xFFFFFFC0]  }
0x57: {  	v8 =	vld [tilespmem:s19+$0xFFFFFFC0]  }
0x58: {  	v9 =	vld [tilespmem:s19+$0x30]  }
0x59: {  	v10 =	vld [tilespmem:s19+$0x20]  }
0x5a: {  	v11 =	vld [tilespmem:s19+$0x10]  }
0x5b: {  	v14 =	vld [tilespmem:s19+$0x0]  }
0x5c: {  	v12 =	vadd.s32 $0x2780, v8;
	v17 =	vld [tilespmem:s19+$0xFFFFFFF0]  }
0x5d: {  	v6 =	vld [tilespmem:s19+$0xFFFFFFE0];
	v18 =	vadd.s32 $0x2780, v9  }
0x5e: {  	v5 =	vld [tilespmem:s19+$0xFFFFFFD0];
	v19 =	vadd.s32 $0x2780, v10  }
0x5f: {  	v20 =	vld.idx.msk [tilespmem:v8+s12+$0x0], $0xffff;
	v21 =	vadd.s32 $0x2780, v11  }
0x60: {  	v8 =	vadd.s32 $0x2780, v14;
	v22 =	vld.idx.msk [tilespmem:v9+s12+$0x0], $0xffff  }
0x61: {  	v13 =	vadd.s32 $0x2780, v17;
	v23 =	vld.idx.msk [tilespmem:v10+s12+$0x0], $0xffff  }
0x62: {  	v24 =	vld.idx.msk [tilespmem:v12+s12+$0x0], $0xffff;
	v12 =	vadd.s32 $0x2780, v6  }
0x63: {  	v9 =	vadd.s32 $0x2780, v5;
	v10 =	vld.idx.msk [tilespmem:v11+s12+$0x0], $0xffff  }
0x64: {  	v18 =	vld.idx.msk [tilespmem:v18+s12+$0x0], $0xffff  }
0x65: {  	v25 =	vadd.s32 $0x2780, v7;
	v11 =	vld.idx.msk [tilespmem:v14+s12+$0x0], $0xffff  }
0x66: {  	v14 =	vld.idx.msk [tilespmem:v19+s12+$0x0], $0xffff  }
0x67: {  	v19 =	vadd.s32 $0x2780, v16;
	[tilespmem:v7+s13+$0x0] =	vst.idx.add.f32.msk $0xffff, v20  }
0x68: {  	v7 =	vld.idx.msk [tilespmem:v17+s12+$0x0], $0xffff  }
.Ltmp0:
0x69: {  	[tilespmem:v16+s13+$0x0] =	vst.idx.add.f32.msk $0xffff, v22;
	(pc) =	sbr.rel @p0 .LBB2_2-.Ltmp0, $4  }
0x6a: {  	v16 =	vadd.s32 $0x2780, v15;
	[tilespmem:v25+s13+$0x0] =	vst.idx.add.f32.msk $0xffff, v24  }
0x6b: {  	[tilespmem:v15+s13+$0x0] =	vst.idx.add.f32.msk $0xffff, v23  }
0x6c: {  	[tilespmem:v19+s13+$0x0] =	vst.idx.add.f32.msk $0xffff, v18  }
0x6d: {  	v15 =	vld.idx.msk [tilespmem:v21+s12+$0x0], $0xffff  }
0x6e: {  	_ =	sdelay $0x3  }
0x6f: {  	v6 =	vld.idx.msk [tilespmem:v6+s12+$0x0], $0xffff  }
0x70: {  	[tilespmem:v16+s13+$0x0] =	vst.idx.add.f32.msk $0xffff, v14  }
0x71: {  	v13 =	vld.idx.msk [tilespmem:v13+s12+$0x0], $0xffff  }
0x72: {  	[tilespmem:v4+s13+$0x0] =	vst.idx.add.f32.msk $0xffff, v10  }
0x73: {  	v56 =	vld.idx.msk [tilespmem:v8+s12+$0x0], $0xffff  }
0x74: {  	v55 =	vadd.s32 $0x2780, v4;
	[tilespmem:v3+s13+$0x0] =	vst.idx.add.f32.msk $0xffff, v11  }
0x75: {  	v57 =	vld.idx.msk [tilespmem:v12+s12+$0x0], $0xffff  }
0x76: {  	v9 =	vld.idx.msk [tilespmem:v9+s12+$0x0], $0xffff;
	v59 =	vadd.s32 $0x2780, v3  }
0x77: {  	v5 =	vld.idx.msk [tilespmem:v5+s12+$0x0], $0xffff;
	v60 =	vadd.s32 $0x2780, v2  }
0x78: {  	[tilespmem:v2+s13+$0x0] =	vst.idx.add.f32.msk $0xffff, v7  }
0x79: {  	v58 =	vadd.s32 $0x2780, v1;
	[tilespmem:v55+s13+$0x0] =	vst.idx.add.f32.msk $0xffff, v15  }
0x7a: {  	v61 =	vadd.s32 $0x2780, v0;
	[tilespmem:v1+s13+$0x0] =	vst.idx.add.f32.msk $0xffff, v6  }
0x7b: {  	[tilespmem:v59+s13+$0x0] =	vst.idx.add.f32.msk $0xffff, v56  }
0x7c: {  	[tilespmem:v60+s13+$0x0] =	vst.idx.add.f32.msk $0xffff, v13  }
0x7d: {  	[tilespmem:v0+s13+$0x0] =	vst.idx.add.f32.msk $0xffff, v5  }
0x7e: {  	[tilespmem:v58+s13+$0x0] =	vst.idx.add.f32.msk $0xffff, v57  }
0x7f: {  	[tilespmem:v61+s13+$0x0] =	vst.idx.add.f32.msk $0xffff, v9  }
0x80: {  	v0 =	vld [tilespmem:$0x2700];
	_ =	sdelay $0x4  }
0x81: {  	v1 =	vld [tilespmem:$0x4E80];
	v62 =	vadd.s32 $0x2780, v0;
	_ =	sdelay $0x3  }
0x82: {  	v0 =	vld.idx.msk [tilespmem:v0+s12+$0x0], $0xffff  }
0x83: {  	v63 =	vadd.s32 $0x2780, v1;
	v2 =	vld.idx.msk [tilespmem:v62+s12+$0x0], $0xffff;
	_ =	sdelay $0x3  }
0x84: {  	[tilespmem:v1+s13+$0x0] =	vst.idx.add.f32.msk $0xffff, v0  }
0x85: {  	[tilespmem:v63+s13+$0x0] =	vst.idx.add.f32.msk $0xffff, v2  }
0x86: {  	[hbm4b:s7+s14] =	stream.strided.scatter [tilespmem:s13], [sflag:$0x1], $0x2780, s15, s14, $0x38;
	[tilespmem:$0xED00] =	vst v63  }
0x87: {  	s17 =	sadd.s32 $0x1, s17;
	_ =	swait.ge [sflag:s10], $0x2780  }
0x88: {  	p0 =	sne.s32 s17, s9;
	[sflag:s10] =	ssyncset.done $0x0  }
.Ltmp1:
0x89: {  	[sflag:s10] =	ssyncadd.s32 $0xFFFFD880;
	(pc) =	sbr.rel @p0 .LBB2_1-.Ltmp1, $4  }
0x8a: {  	[hbm4b:s8+s14] =	stream.strided.scatter [tilespmem:s16], [sflag:$0x1], $0x2780, s15, s14, $0x38;
	[tilespmem:$0xED00] =	vst v63  }
0x8b: {  	_ =	swait.ge [sflag:s10], $0x2780  }
0x8c: {  	[sflag:s10] =	ssyncset.done $0x0  }
0x8d: {  	[sflag:s10] =	ssyncadd.s32 $0xFFFFD880  }
0x8e: {  	_ =	sfence.sel $0x180000  }
0x8f: {  	[bflag:$0x0] =	sbarrier.arrive $0xFFFF  }
0x90: {  	p0 =	sne.s32 s0, $0x0;
	_ =	strace $0x9000004A  }
0x91: {  	s0 =	sadd.s32 @!p0 $0x100000, s1;
	[bflag:$0x2] =	sbarrier.arrive $0xFFFF  }
0x92: {  	[sflag:s0] =	ssyncadd.tile.s32 @!p0 $0x1;
	_ =	shalt  }
.Lfunc_end2:
_tile_overlayer_lowered:
.L_overlay_start_2:
0x93: {  	(tag) =	ssettag $0x2  }
0x94: {  	s0 =	rddreg [dreg:$0x0];
	s2 =	stileid.u32  }
0x95: {  	s1 =	rddreg [dreg:$0x1];
	p0 =	sne.s32 s2, $0x0  }
0x96: {  	s3 =	rddreg [dreg:$0x2];
	[bflag:$0x3] =	sbarrier.arrive $0xFFFF;
	s2 =	simm.s32 @!p0 $0x1C01  }
0x97: {  	[timem:s3], [sflag:s2] =	dma.local @!p0 [hbm:s0], s1  }
0x98: {  	s0 =	simm.s32 @!p0 $0x1  }
0x99: {  	_ =	swait.ge @!p0 [sflag:s0], s1  }
0x9a: {  	s1 =	ssub.s32 @!p0 $0x0, s1;
	[sflag:s0] =	ssyncset.done @!p0 $0x0  }
0x9b: {  	[sflag:s0] =	ssyncadd.s32 @!p0 s1  }
0x9c: {  	[bflag:$0x3] =	sbarrier.arrive $0xFFFF  }
0x9d: {  	_ =	shalt  }

// kernel: kernel.7.cloned.1.call-start
scs
__scs_entry_jumppad:
0x0: {  	(pc) =	sbr.rel $0x88, $3  }
0x1: {  	(tag) =	ssettag $0x0;
	lr =	simm.s32 $0x1  }
0x2: {  	[smem:$0x3F98] =	sst lr;
	_ =	strace $0xD0000000  }
0x3: {  	_ = 	snop  }
0x4: {  	_ = 	snop  }
0x5: {  	_ = 	snop  }
0x6: {  	_ = 	snop  }
0x7: {  	_ = 	snop  }
__scs_overlays_trampoline_lowered:
0x8: {  	[smem:$0x3FA7] =	sst s0  }
0x9: {  	[smem:$0x3FA8] =	sst s1  }
0xa: {  	[smem:$0x3FA9] =	sst s2  }
0xb: {  	[smem:$0x3FAA] =	sst s3  }
0xc: {  	[smem:$0x3FAB] =	sst s4  }
0xd: {  	[smem:$0x3FAC] =	sst s5  }
0xe: {  	[smem:$0x3FAD] =	sst s6  }
0xf: {  	[smem:$0x3FAE] =	sst s7  }
0x10: {  	[smem:$0x3FAF] =	sst s8  }
0x11: {  	[smem:$0x3FB0] =	sst s9;
	s0 =	simm.s32 @!p0 $0x0  }
0x12: {  	s1 =	sld [smem:$0x3F96];
	s0 =	simm.s32 @p0 $0x1  }
0x13: {  	[smem:$0x3FB1] =	sst s0;
	s0 =	simm.s32 @!p1 $0x0  }
0x14: {  	s2 =	sld [smem:$0x3F95];
	s0 =	simm.s32 @p1 $0x1  }
0x15: {  	[smem:$0x3FB2] =	sst s0;
	s0 =	simm.s32 @!p2 $0x0  }
0x16: {  	s3 =	sld [smem:$0x3FDB];
	s0 =	simm.s32 @p2 $0x1  }
0x17: {  	s4 =	simm.s32 $0x1BF5;
	[smem:$0x3FB4] =	sst s0  }
0x18: {  	s0 =	sld [smem:$0x3F97];
	_ =	swait.ge [sflag:s4], $0x0  }
0x19: {  	s7 =	sld [smem:$0x3F98]  }
0x1a: {  	s8 =	sadd.s32 $0xFFFFE003, lr  }
0x1b: {  	s9 =	sadd.s32 $0xFFFFFEF7, lr;
	s5 =	simm.s32 $0xFFFFFFFF;
	p2 =	slt.u32 s8, $0xFFFFF086  }
0x1c: {  	p1 =	slt.u32 s9, $0xF7A;
	s5 =	simm.s32 @!p2 $0x0  }
0x1d: {  	s5 =	simm.s32 @p1 $0x1;
	p0 =	seq.s32 s7, s2  }
0x1e: {  	s7 =	smul.u32 @!p0 $0xF7A, s2;
	p2 =	seq.s32 @!p0 s5, $0x0  }
0x1f: {  	s9 =	smul.u32 $0xF7A, s1;
	s8 =	simm.s32 @!p0 $0x1BF5;
	p2 =	por !p2, p0  }
0x20: {  	[sflag:s8] =	ssyncset.s32 @!p0 $0xFFFFF086;
	s6 =	sadd.s32 @!p0 s3, s7;
	s7 =	simm.s32 @!p0 $0x108  }
0x21: {  	s3 =	sadd.s32 s3, s9;
	s6 =	sadd.s32 @!p0 $0x88, s6;
	s7 =	simm.s32 @p2 $0x1082  }
0x22: {  	[simem:s7], [sflag:s8] =	dma.local @!p0 [hbm:s6], $0xF7A  }
0x23: {  	s9 =	sor.u32 $0xD0000000, s2;
	s6 =	simm.s32 $0x108;
	_ =	swait.ge @!p0 [sflag:s8], $0x0  }
0x24: {  	s3 =	sadd.s32 $0x88, s3;
	s6 =	simm.s32 @!p1 $0x1082;
	[sflag:s4] =	ssyncset.s32 $0xFFFFF086  }
0x25: {  	[simem:s6], [sflag:s4] =	dma.local [hbm:s3], $0xF7A  }
0x26: {  	[smem:$0x3F98] =	sst s1;
	(tag) =	ssettag s2;
	_ =	strace s9  }
0x27: {  	s1 =	sld [smem:$0x3FA8]  }
0x28: {  	s2 =	sld [smem:$0x3FA9]  }
0x29: {  	s4 =	sld [smem:$0x3FAB]  }
0x2a: {  	p0 =	seq.s32 s5, $0x0;
	s5 =	sld [smem:$0x3FAC]  }
0x2b: {  	s6 =	sld [smem:$0x3FAD]  }
0x2c: {  	s7 =	sld [smem:$0x3FAE]  }
0x2d: {  	s3 =	simm.s32 $0x108;
	s8 =	sld [smem:$0x3FAF]  }
0x2e: {  	s3 =	simm.s32 @!p0 $0x1082;
	s9 =	sld [smem:$0x3FB0]  }
0x2f: {  	lr =	sadd.s32 s0, s3;
	s0 =	sld [smem:$0x3FA7]  }
0x30: {  	s3 =	sld [smem:$0x3FAA]  }
0x31: {  	[smem:$0x3FB3] =	sst s10  }
0x32: {  	s10 =	sld [smem:$0x3FB1];
	_ =	sdelay $0x3  }
0x33: {  	p0 =	seq.s32 s10, $0x1;
	s10 =	sld [smem:$0x3FB3];
	_ =	sdelay $0x3  }
0x34: {  	[smem:$0x3FB3] =	sst s10  }
0x35: {  	s10 =	sld [smem:$0x3FB2];
	_ =	sdelay $0x3  }
0x36: {  	p1 =	seq.s32 s10, $0x1;
	s10 =	sld [smem:$0x3FB3];
	_ =	sdelay $0x3  }
0x37: {  	[smem:$0x3FB3] =	sst s10  }
0x38: {  	s10 =	sld [smem:$0x3FB4]  }
0x39: {  	_ = 	snop;
	(pc) =	sbr.ind lr, $3  }
0x3a: {  	_ = 	snop  }
0x3b: {  	_ = 	snop  }
0x3c: {  	p2 =	seq.s32 s10, $0x1;
	s10 =	sld [smem:$0x3FB3]  }
0x3d: {  	_ =	shalt  }
0x3e: {  	_ =	shalt  }
0x3f: {  	_ =	shalt  }
0x40: {  	_ =	shalt  }
0x41: {  	_ =	shalt  }
0x42: {  	_ =	shalt  }
0x43: {  	_ =	shalt  }
0x44: {  	_ =	shalt  }
0x45: {  	_ =	shalt  }
0x46: {  	_ =	shalt  }
0x47: {  	_ =	shalt  }
0x48: {  	_ =	shalt  }
0x49: {  	_ =	shalt  }
0x4a: {  	_ =	shalt  }
0x4b: {  	_ =	shalt  }
0x4c: {  	_ =	shalt  }
0x4d: {  	_ =	shalt  }
0x4e: {  	_ =	shalt  }
0x4f: {  	_ =	shalt  }
0x50: {  	_ =	shalt  }
0x51: {  	_ =	shalt  }
0x52: {  	_ =	shalt  }
0x53: {  	_ =	shalt  }
0x54: {  	_ =	shalt  }
0x55: {  	_ =	shalt  }
0x56: {  	_ =	shalt  }
0x57: {  	_ =	shalt  }
0x58: {  	_ =	shalt  }
0x59: {  	_ =	shalt  }
0x5a: {  	_ =	shalt  }
0x5b: {  	_ =	shalt  }
0x5c: {  	_ =	shalt  }
0x5d: {  	_ =	shalt  }
0x5e: {  	_ =	shalt  }
0x5f: {  	_ =	shalt  }
0x60: {  	_ =	shalt  }
0x61: {  	_ =	shalt  }
0x62: {  	_ =	shalt  }
0x63: {  	_ =	shalt  }
0x64: {  	_ =	shalt  }
0x65: {  	_ =	shalt  }
0x66: {  	_ =	shalt  }
0x67: {  	_ =	shalt  }
0x68: {  	_ =	shalt  }
0x69: {  	_ =	shalt  }
0x6a: {  	_ =	shalt  }
0x6b: {  	_ =	shalt  }
0x6c: {  	_ =	shalt  }
0x6d: {  	_ =	shalt  }
0x6e: {  	_ =	shalt  }
0x6f: {  	_ =	shalt  }
0x70: {  	_ =	shalt  }
0x71: {  	_ =	shalt  }
0x72: {  	_ =	shalt  }
0x73: {  	_ =	shalt  }
0x74: {  	_ =	shalt  }
0x75: {  	_ =	shalt  }
0x76: {  	_ =	shalt  }
0x77: {  	_ =	shalt  }
0x78: {  	_ =	shalt  }
0x79: {  	_ =	shalt  }
0x7a: {  	_ =	shalt  }
0x7b: {  	_ =	shalt  }
0x7c: {  	_ =	shalt  }
0x7d: {  	_ =	shalt  }
0x7e: {  	_ =	shalt  }
0x7f: {  	_ =	shalt  }
0x80: {  	_ =	shalt  }
0x81: {  	_ =	shalt  }
0x82: {  	_ =	shalt  }
0x83: {  	_ =	shalt  }
0x84: {  	_ =	shalt  }
0x85: {  	_ =	shalt  }
0x86: {  	_ =	shalt  }
0x87: {  	_ =	shalt  }
.Lfunc_end0:
.L_simem_size_0:
called_computation_lowered:
.L_overlay_start_0:
0x88: {  	s2 =	sld [smem:$0x3FD9]  }
0x89: {  	s3 =	sld [smem:$0x3FFE];
	_ =	sdelay $0x1  }
0x8a: {  	s1 =	srdreg.scid  }
0x8b: {  	s0 =	sand.u32 $0x1, s1  }
0x8c: {  	s17 =	sshll.u32 s0, $0xA;
	s2 =	sadd.s32 s3, s2  }
0x8d: {  	s2 =	sadd.s32 s2, s17  }
0x8e: {  	[smem:$0x3FBF] =	sst s2  }
0x8f: {  	_ = 	snop  }
0x90: {  	s2 =	sld [smem:$0x3FD0];
	(tm) =	ssettm $0x1  }
0x91: {  	s18 =	sld [smem:$0x3FFB];
	_ =	sdelay $0x3  }
0x92: {  	_ =	strace s18  }
0x93: {  	s3 =	sld [smem:$0x3FFC];
	_ =	sdelay $0x3  }
0x94: {  	_ =	strace s3  }
0x95: {  	s3 =	sld [smem:$0x3FFD];
	_ =	sdelay $0x3  }
0x96: {  	_ =	strace s3  }
0x97: {  	_ =	strace $0x8FFFFFFF  }
0x98: {  	s19 =	sld [smem:$0x3FDB];
	_ =	sdelay $0x1  }
0x99: {  	s4 =	simm.s32 $_scs_section_size  }
0x9a: {  	s5 =	simm.s32 $_size__tile_overlayer_lowered;
	s6 =	simm.s32 $_tile_overlayer_lowered  }
0x9b: {  	s22 =	simm.s32 $0x1BFF;
	s21 =	sshll.u32 s6, $0x1;
	s3 =	sadd.s32 s4, s19  }
0x9c: {  	s7 =	simm.s32 $0x0;
	s20 =	sshll.u32 s5, $0x1;
	s5 =	sadd.s32 s21, s3  }
0x9d: {  	[timem:s7], [sflag:s22] =	dma.local [hbm:s5], s20  }
0x9e: {  	_ =	swait.ge [sflag:s22], s20  }
0x9f: {  	s4 =	ssub.s32 $0x0, s20;
	[sflag:s22] =	ssyncset.done $0x0  }
0xa0: {  	[sflag:s22] =	ssyncadd.s32 s4;
	_ =	sdelay $0x1  }
0xa1: {  	s23 =	simm.s32 $0x1B8B  }
0xa2: {  	_ =	swait.ge [sflag:s23], $0x1  }
0xa3: {  	[sflag:s23] =	ssyncset.done $0x0  }
0xa4: {  	s25 =	simm.s32 $0x1B8E;
	s24 =	sld [smem:$0x3FFE];
	[sflag:s23] =	ssyncadd.s32 $0xFFFFFFFF  }
0xa5: {  	s26 =	simm.s32 $execute0_lowered;
	[smem:$0x3FD2] =	sst s25  }
0xa6: {  	s5 =	sshll.u32 s26, $0x1;
	_ =	strace $0x80000046;
	[dreg:$0x1] =	wrdreg $0xFFFFFFFF  }
0xa7: {  	s28 =	simm.s32 $_size_execute0_lowered;
	s3 =	sadd.s32 s3, s5;
	[dreg:$0x0] =	wrdreg $0x0  }
0xa8: {  	s5 =	sshll.u32 s28, $0x1;
	[dreg:$0x2] =	wrdreg s3  }
0xa9: {  	[dreg:$0x3] =	wrdreg s5  }
0xaa: {  	[dreg:$0x4] =	wrdreg $0xC0  }
0xab: {  	_ =	task [dreg:s7], $0x5FFFF  }
0xac: {  	[dreg:$0x1] =	wrdreg $0xFFFFFFFF  }
0xad: {  	[dreg:$0x0] =	wrdreg $0x60  }
0xae: {  	[dreg:$0x2] =	wrdreg s24  }
0xaf: {  	[dreg:$0x3] =	wrdreg s2  }
0xb0: {  	[dreg:$0x4] =	wrdreg $0x164000  }
0xb1: {  	[dreg:$0x5] =	wrdreg $0x9  }
0xb2: {  	_ =	task.clear_ibuf [dreg:s7], $0x6FFFF;
	_ =	strace $0x90000046  }
0xb3: {  	s29 =	simm.s32 $0x9;
	_ =	strace $0x80000048  }
0xb4: {  	_ =	swait.ge [sflag:s29], $0x1  }
0xb5: {  	[sflag:s29] =	ssyncadd.s32 $0xFFFFFFFF  }
0xb6: {  	_ =	strace $0x90000048  }
0xb7: {  	_ =	sfence  }
0xb8: {  	s30 =	sld [smem:$0x0];
	_ =	sdelay $0x2  }
0xb9: {  	s31 =	sshll.u32 s1, $0xD;
	s1 =	sshrl.u32 s1, $0x2  }
0xba: {  	s3 =	sand.u32 $0x4000, s31;
	s1 =	sadd.s32 s1, s30  }
0xbb: {  	s0 =	sor.u32 s3, s0;
	s1 =	sshll.u32 s1, $0x11  }
0xbc: {  	s0 =	sor.u32 s1, s0  }
0xbd: {  	s0 =	sadd.s32 $0x8F2B, s0  }
0xbe: {  	[sflag:s0] =	ssyncadd.remote.s32 $0x1  }
0xbf: {  	_ =	sfence.sel $0xFFFF  }
0xc0: {  	[dreg:$0x0] =	wrdreg $0xFFFFFFFF;
	(pc) =	sbr.abs _section_cstart, $3  }
0xc1: {  	[dreg:$0x1] =	wrdreg $0xFFFFFFFF  }
0xc2: {  	_ =	task.clear_ibuf [dreg:s7], $0x2FFFF;
	_ =	strace $0x9FFFFFFF  }
0xc3: {  	(tm) =	ssettm $0x7FFFFFFF  }
tec
execute0_lowered:
.L_overlay_start_1:
0x0: {  	(tag) =	ssettag $0x1  }
0x1: {  	s0 =	rddreg [dreg:$0x0]  }
0x2: {  	s1 =	rddreg [dreg:$0x1]  }
0x3: {  	s2 =	srdreg.scid;
	s3 =	stileid.u32  }
0x4: {  	s5 =	simm.s32 $0x0;
	s2 =	sand.u32 $0x1, s2;
	s4 =	sshll.u32 s3, $0x1  }
0x5: {  	[smem:$0x7FF] =	sst s5;
	s6 =	sadd.s32 $0x1800, s0;
	s7 =	sadd.s32 $0x2200, s0  }
0x6: {  	s8 =	sadd.s32 $0x16600, s0;
	s25 =	sadd.s32 $0x16000, s0;
	s26 =	sadd.s32 $0x15E00, s0  }
0x7: {  	s9 =	sshrl.u32 s3, $0x2;
	_ =	strace $0x80000047;
	[smem:$0x7F3] =	sst s6  }
0x8: {  	s29 =	smul.u32 $0x9C4, s3;
	p0 =	sne.s32 s3, $0x0;
	[smem:$0x7F4] =	sst s8  }
0x9: {  	s4 =	sor.u32 s2, s4;
	[smem:$0x7F5] =	sst s25;
	s28 =	smul.u32 $0x500, s2  }
0xa: {  	[smem:$0x7F6] =	sst s26;
	s2 =	ssub.s32 $0x2, s2;
	s23 =	smul.u32 $0x4E2, s4  }
0xb: {  	s9 =	smul.u32 $0x13C00, s9;
	s10 =	sshrl.u32 s2, $0x1;
	s4 =	sshll.u32 s4, $0x7  }
0xc: {  	s2 =	ssub.s32 s2, s10;
	s4 =	sand.u32 $0x380, s4;
	s24 =	sadd.s32 s23, s0  }
0xd: {  	s0 =	sadd.s32 s28, s0;
	s4 =	sor.u32 s9, s4;
	s5 =	sadd.s32 s7, s23  }
0xe: {  	s31 =	smax.u32 s2, $0x1;
	s2 =	simm.s32 $0x0;
	[smem:$0x7F8] =	sst s5  }
0xf: {  	s6 =	sadd.s32 $0xC000, s24;
	s30 =	sshrl.u32 s4, $0x3;
	[smem:$0x7FD] =	sst s31  }
0x10: {  	s4 =	sadd.s32 $0x4F000, s4;
	s0 =	sadd.s32 $0x17000, s0;
	[smem:$0x7F7] =	sst s6  }
0x11: {  	s6 =	sadd.s32 s7, s29;
	s5 =	sadd.s32 s1, s30;
	[smem:$0x7FC] =	sst s0  }
0x12: {  	s4 =	sshrl.u32 s4, $0x3;
	s7 =	simm.s32 $0x13B80;
	[smem:$0x7F9] =	sst s6  }
0x13: {  	[smem:$0x7FA] =	sst s5;
	s1 =	sadd.s32 s1, s4;
	s4 =	simm.s32 $0x1  }
0x14: {  	v0 =	vimm.f32 $1.000000000e+00;
	s5 =	simm.s32 $0x9D80;
	s6 =	simm.s32 $0xEC80;
	[smem:$0x7FB] =	sst s1  }
.LBB2_1:
0x15: {  	s1 =	sld [smem:$0x7F7];
	_ =	sdelay $0x1  }
0x16: {  	[smem:$0x7F2] =	sst s2;
	s0 =	simm.s32 $0x0  }
0x17: {  	[tilespmem:s0], [sflag:$0x1] =	stream.linear.gather [hbm4b:s1+s0], $0x2710, $0x38;
	[tilespmem:$0x16678] =	vst v63  }
0x18: {  	_ =	swait.ge [sflag:s4], $0x2710  }
0x19: {  	s22 =	sld [smem:$0x7F8]  }
0x1a: {  	[sflag:s4] =	ssyncset.done $0x0  }
0x1b: {  	s23 =	simm.s32 $0x2780;
	[sflag:s4] =	ssyncadd.s32 $0xFFFFD8F0  }
0x1c: {  	[tilespmem:s23], [sflag:$0x1] =	stream.linear.gather [hbm4b:s22+s0], $0x2710, $0x38;
	[tilespmem:$0x16678] =	vst v63  }
0x1d: {  	_ =	swait.ge [sflag:s4], $0x2710  }
0x1e: {  	s24 =	sld [smem:$0x7F9]  }
0x1f: {  	[sflag:s4] =	ssyncset.done $0x0  }
0x20: {  	s25 =	simm.s32 $0x4F00;
	[sflag:s4] =	ssyncadd.s32 $0xFFFFD8F0  }
0x21: {  	[tilespmem:s25], [sflag:$0x1] =	stream.linear.gather [hbm4b:s24+s0], $0x4E20, $0x38;
	[tilespmem:$0x16678] =	vst v63  }
0x22: {  	_ =	swait.ge [sflag:s4], $0x4E20  }
0x23: {  	s26 =	sld [smem:$0x7F3]  }
0x24: {  	[sflag:s4] =	ssyncset.done $0x0  }
0x25: {  	[sflag:s4] =	ssyncadd.s32 $0xFFFFB1E0  }
0x26: {  	[tilespmem:s5], [sflag:$0x1] =	stream.linear.gather [hbm4b:s26+s0], $0x4F00, $0x38;
	[tilespmem:$0x16678] =	vst v63  }
0x27: {  	_ =	swait.ge [sflag:s4], $0x4F00  }
0x28: {  	s28 =	sld [smem:$0x7F4]  }
0x29: {  	[sflag:s4] =	ssyncset.done $0x0  }
0x2a: {  	[sflag:s4] =	ssyncadd.s32 $0xFFFFB100  }
0x2b: {  	[tilespmem:s6], [sflag:$0x1] =	stream.linear.gather [hbm4b:s28+s0], $0x4F00, $0x38;
	[tilespmem:$0x16678] =	vst v63  }
0x2c: {  	_ =	swait.ge [sflag:s4], $0x4F00  }
0x2d: {  	s29 =	sld [smem:$0x7F5]  }
0x2e: {  	[sflag:s4] =	ssyncset.done $0x0  }
0x2f: {  	[sflag:s4] =	ssyncadd.s32 $0xFFFFB100  }
0x30: {  	[tilespmem:s7], [sflag:$0x1] =	stream.linear.gather [hbm4b:s29+s0], $0x2780, $0x38;
	[tilespmem:$0x16678] =	vst v63  }
0x31: {  	_ =	swait.ge [sflag:s4], $0x2780  }
0x32: {  	s30 =	sld [smem:$0x7F6]  }
0x33: {  	[sflag:s4] =	ssyncset.done $0x0  }
0x34: {  	s31 =	simm.s32 $0x16380;
	[sflag:s4] =	ssyncadd.s32 $0xFFFFD880  }
0x35: {  	[tilespmem:s31], [sflag:$0x1] =	stream.linear.gather [hbm4b:s30+s0], $0x80, $0x38;
	[tilespmem:$0x16678] =	vst v63  }
0x36: {  	_ =	swait.ge [sflag:s4], $0x80  }
0x37: {  	[sflag:s4] =	ssyncset.done $0x0  }
0x38: {  	s0 =	simm.s32 $0x4F40;
	[sflag:s4] =	ssyncadd.s32 $0xFFFFFF80  }
0x39: {  	v2 =	vld [tilespmem:s0+$0xFFFFFFC0]  }
0x3a: {  	v3 =	vld [tilespmem:s0+$0x30]  }
0x3b: {  	v4 =	vld [tilespmem:s0+$0x20]  }
0x3c: {  	v5 =	vld [tilespmem:s0+$0x10]  }
0x3d: {  	v6 =	vld [tilespmem:s0+$0x0]  }
0x3e: {  	v7 =	vld [tilespmem:s0+$0xFFFFFFF0]  }
0x3f: {  	v8 =	vld [tilespmem:s0+$0xFFFFFFE0]  }
0x40: {  	v1 =	vld [tilespmem:s0+$0xFFFFFFD0]  }
0x41: {  	[tilespmem:v2+s7+$0x0] =	vst.idx.add.f32.msk $0xffff, v0  }
0x42: {  	[tilespmem:v3+s7+$0x0] =	vst.idx.add.f32.msk $0xffff, v0  }
0x43: {  	[tilespmem:v4+s7+$0x0] =	vst.idx.add.f32.msk $0xffff, v0  }
0x44: {  	[tilespmem:v5+s7+$0x0] =	vst.idx.add.f32.msk $0xffff, v0  }
0x45: {  	[tilespmem:v6+s7+$0x0] =	vst.idx.add.f32.msk $0xffff, v0  }
0x46: {  	[tilespmem:v7+s7+$0x0] =	vst.idx.add.f32.msk $0xffff, v0  }
0x47: {  	s1 =	simm.s32 $0x0;
	[tilespmem:v8+s7+$0x0] =	vst.idx.add.f32.msk $0xffff, v0  }
.LBB2_2:
0x48: {  	s1 =	sadd.s32 $0x8, s1;
	[tilespmem:v1+s7+$0x0] =	vst.idx.add.f32.msk $0xffff, v0;
	s0 =	sadd.s32 $0x80, s0  }
0x49: {  	v2 =	vld [tilespmem:s0+$0xFFFFFFC0];
	p1 =	slt.u32 s1, $0x4D8  }
0x4a: {  	v3 =	vld [tilespmem:s0+$0x30]  }
0x4b: {  	v4 =	vld [tilespmem:s0+$0x20]  }
0x4c: {  	v5 =	vld [tilespmem:s0+$0x10]  }
0x4d: {  	v6 =	vld [tilespmem:s0+$0x0]  }
0x4e: {  	v7 =	vld [tilespmem:s0+$0xFFFFFFF0]  }
0x4f: {  	v8 =	vld [tilespmem:s0+$0xFFFFFFE0]  }
0x50: {  	v1 =	vld [tilespmem:s0+$0xFFFFFFD0]  }
0x51: {  	[tilespmem:v2+s7+$0x0] =	vst.idx.add.f32.msk $0xffff, v0  }
0x52: {  	[tilespmem:v3+s7+$0x0] =	vst.idx.add.f32.msk $0xffff, v0  }
.Ltmp0:
0x53: {  	[tilespmem:v4+s7+$0x0] =	vst.idx.add.f32.msk $0xffff, v0;
	(pc) =	sbr.rel @p1 .LBB2_2-.Ltmp0, $4  }
0x54: {  	[tilespmem:v5+s7+$0x0] =	vst.idx.add.f32.msk $0xffff, v0  }
0x55: {  	[tilespmem:v6+s7+$0x0] =	vst.idx.add.f32.msk $0xffff, v0  }
0x56: {  	[tilespmem:v7+s7+$0x0] =	vst.idx.add.f32.msk $0xffff, v0  }
0x57: {  	[tilespmem:v8+s7+$0x0] =	vst.idx.add.f32.msk $0xffff, v0  }
0x58: {  	_ =	sdelay $0x3  }
0x59: {  	[tilespmem:v1+s7+$0x0] =	vst.idx.add.f32.msk $0xffff, v0;
	s0 =	simm.s32 $0x0  }
.LBB2_4:
0x5a: {  	s1 =	sshra.s32 s0, $0x2  }
0x5b: {  	v1 =	vld [tilespmem:s1+$0x9D00];
	_ =	sdelay $0x2  }
0x5c: {  	p1 =	sne.s32 s0, $0x40  }
.Ltmp1:
0x5d: {  	_ = 	snop;
	(pc) =	sbr.rel @p1 .LBB2_4-.Ltmp1, $2  }
0x5e: {  	_ =	sdelay $0x2  }
0x5f: {  	s0 =	sadd.s32 $0x40, s0;
	[tilespmem:v1+s7+$0x0] =	vst.idx.add.f32.msk $0xffff, v0  }
0x60: {  	[bflag:$0x0] =	sbarrier.arrive @p0 $0xFFFF;
	s0 =	simm.s32 @p0 $0x4F  }
0x61: {  	s1 =	simm.s32 @p0 $0x16380;
	s2 =	simm.s32 @p0 $0x13B80;
	s3 =	rddreg [dreg:$0x2]  }
0x62: {  	[spmem:s3] =	stream.indirect.scatter.add.f32 @p0 [tilespmem:s2], [sflag:$0x1], $0x80, s1, s0, $0xb8;
	[tilespmem:$0x16678] =	vst v63  }
0x63: {  	s0 =	simm.s32 @p0 $0x1  }
0x64: {  	_ =	swait.ge @p0 [sflag:s0], $0x2780  }
0x65: {  	[sflag:s0] =	ssyncset.done @p0 $0x0  }
0x66: {  	[sflag:s0] =	ssyncadd.s32 @p0 $0xFFFFD880;
	s0 =	simm.s32 @!p0 $0x13B80  }
0x67: {  	[spmem:s3] =	stream.linear.scatter @!p0 [tilespmem:s0], [sflag:$0x1], $0x2780, $0x38;
	[tilespmem:$0x16678] =	vst v63  }
0x68: {  	s0 =	simm.s32 @!p0 $0x1  }
0x69: {  	_ =	swait.ge @!p0 [sflag:s0], $0x2780  }
0x6a: {  	[sflag:s0] =	ssyncset.done @!p0 $0x0  }
0x6b: {  	[sflag:s0] =	ssyncadd.s32 @!p0 $0xFFFFD880  }
0x6c: {  	[bflag:$0x0] =	sbarrier.arrive @!p0 $0xFFFF  }
0x6d: {  	s24 =	simm.s32 $0x0;
	[bflag:$0x0] =	sbarrier.arrive $0xFFFF  }
0x6e: {  	[tilespmem:s7], [sflag:$0x1] =	stream.linear.gather [spmem:s3], $0x2780, $0x38;
	[tilespmem:$0x16678] =	vst v63  }
0x6f: {  	s13 =	sand.u32 $0x3F80, s24;
	_ =	swait.ge [sflag:s4], $0x2780  }
0x70: {  	s24 =	sand.u32 $0x40, s24;
	s25 =	sadd.s32 $0x13B80, s13;
	[sflag:s4] =	ssyncset.done $0x0  }
0x71: {  	s5 =	simm.s32 $0x10;
	s3 =	sor.u32 s24, s25;
	[sflag:s4] =	ssyncadd.s32 $0xFFFFD880  }
0x72: {  	s21 =	sand.u32 $0x50, s5;
	v1 =	vld [tilespmem:s3+$0x0]  }
0x73: {  	s31 =	sor.u32 s21, s25  }
0x74: {  	s6 =	simm.s32 $0x20;
	v2 =	vld [tilespmem:s31+$0x0]  }
0x75: {  	s26 =	sand.u32 $0x60, s6  }
0x76: {  	s2 =	sor.u32 s26, s25  }
0x77: {  	v3 =	vld [tilespmem:s2+$0x0];
	v1 =	vadd.f32 $1.000000000e+00, v1  }
0x78: {  	s7 =	simm.s32 $0x30  }
0x79: {  	s23 =	sand.u32 $0x70, s7;
	v4 =	vadd.f32 $1.000000000e+00, v2;
	v5 =	vshra.s32 v1, $0x1;
	v2 =	vmul.f32 $5.000000000e-01, v1  }
0x7a: {  	s8 =	simm.s32 $0x40;
	s15 =	sor.u32 s23, s25;
	v1 =	vsub.s32 $0x5F3759DF, v5  }
0x7b: {  	s19 =	sand.u32 $0x3F80, s8;
	v6 =	vld [tilespmem:s15+$0x0];
	v7 =	vshra.s32 v4, $0x1;
	v5 =	vmul.f32 $5.000000000e-01, v4;
	v4 =	vmul.f32 v1, v2  }
0x7c: {  	s10 =	simm.s32 $0x50;
	s18 =	sand.u32 $0x40, s8;
	s9 =	sadd.s32 $0x13B80, s19;
	v3 =	vadd.f32 $1.000000000e+00, v3;
	v7 =	vsub.s32 $0x5F3759DF, v7  }
0x7d: {  	s11 =	simm.s32 $0x60;
	s1 =	sand.u32 $0x50, s10;
	s20 =	sor.u32 s18, s9;
	v8 =	vmul.f32 v7, v5;
	v4 =	vmul.f32 v1, v4  }
0x7e: {  	s4 =	sand.u32 $0x60, s11;
	v10 =	vld [tilespmem:s20+$0x0];
	[dreg:$0x5] =	wrdreg s1;
	v9 =	vshra.s32 v3, $0x1  }
0x7f: {  	s1 =	sor.u32 s1, s9;
	[dreg:$0x8] =	wrdreg s4;
	v3 =	vmul.f32 $5.000000000e-01, v3;
	v8 =	vmul.f32 v7, v8;
	v4 =	vsub.f32 $1.500000000e+00, v4  }
0x80: {  	[dreg:$0xb] =	wrdreg s1;
	v6 =	vadd.f32 $1.000000000e+00, v6;
	v9 =	vsub.s32 $0x5F3759DF, v9  }
0x81: {  	v13 =	vld [tilespmem:s1+$0x0];
	v11 =	vmul.f32 v9, v3;
	v1 =	vmul.f32 v1, v4;
	v4 =	vsub.f32 $1.500000000e+00, v8  }
0x82: {  	s17 =	sor.u32 s4, s9;
	v12 =	vshra.s32 v6, $0x1;
	v8 =	vmul.f32 $5.000000000e-01, v6  }
0x83: {  	v15 =	vld [tilespmem:s17+$0x0];
	v14 =	vsub.s32 $0x5F3759DF, v12;
	v11 =	vmul.f32 v9, v11;
	v6 =	vmul.f32 v7, v4  }
0x84: {  	s12 =	simm.s32 $0x70;
	v12 =	vmul.f32 v1, v2;
	v4 =	vmul.f32 v14, v8  }
0x85: {  	s1 =	sand.u32 $0x70, s12;
	v7 =	vadd.f32 $1.000000000e+00, v10;
	v10 =	vsub.f32 $1.500000000e+00, v11;
	v11 =	vmul.f32 v6, v5  }
0x86: {  	[dreg:$0x17] =	wrdreg s1;
	s0 =	sor.u32 s1, s9;
	v13 =	vadd.f32 $1.000000000e+00, v13;
	v16 =	vmul.f32 v12, v1;
	v4 =	vmul.f32 v14, v4  }
0x87: {  	[dreg:$0x13] =	wrdreg s0;
	v17 =	vshra.s32 v7, $0x1;
	v12 =	vmul.f32 $5.000000000e-01, v7;
	v9 =	vmul.f32 v9, v10  }
0x88: {  	v7 =	vld [tilespmem:s0+$0x0];
	v10 =	vadd.f32 $1.000000000e+00, v15;
	v17 =	vsub.s32 $0x5F3759DF, v17;
	v18 =	vsub.f32 $1.500000000e+00, v16  }
0x89: {  	v15 =	vmul.f32 v17, v12;
	v19 =	vmul.f32 v11, v6;
	v11 =	vshra.s32 v13, $0x1  }
0x8a: {  	v16 =	vmul.f32 $5.000000000e-01, v13;
	v13 =	vmul.f32 v9, v3;
	v20 =	vsub.s32 $0x5F3759DF, v11  }
0x8b: {  	v11 =	vmul.f32 v17, v15;
	v15 =	vshra.s32 v10, $0x1;
	v10 =	vmul.f32 $5.000000000e-01, v10  }
0x8c: {  	v4 =	vsub.f32 $1.500000000e+00, v4;
	v21 =	vmul.f32 v20, v16;
	v13 =	vmul.f32 v13, v9  }
0x8d: {  	s14 =	simm.s32 $0x80;
	s5 =	simm.s32 $0x90;
	v18 =	vmul.f32 v18, v1;
	v7 =	vadd.f32 $1.000000000e+00, v7;
	v15 =	vsub.s32 $0x5F3759DF, v15  }
0x8e: {  	s16 =	simm.s32 $0xA0;
	s5 =	sand.u32 $0x50, s5;
	s4 =	sand.u32 $0x3F80, s14;
	v11 =	vsub.f32 $1.500000000e+00, v11;
	v21 =	vmul.f32 v20, v21;
	v22 =	vmul.f32 v15, v10  }
0x8f: {  	s6 =	sadd.s32 $0x13B80, s4;
	s0 =	sand.u32 $0x60, s16;
	[dreg:$0x6] =	wrdreg s5;
	v13 =	vsub.f32 $1.500000000e+00, v13;
	v2 =	vmul.f32 v18, v2;
	v26 =	vmul.f32 $5.000000000e-01, v7  }
0x90: {  	s22 =	sor.u32 s5, s6;
	[dreg:$0x4] =	wrdreg s0;
	s0 =	sor.u32 s0, s6;
	v7 =	vshra.s32 v7, $0x1;
	v23 =	vmul.f32 v17, v11;
	v11 =	vmul.f32 v14, v4  }
0x91: {  	s25 =	sand.u32 $0x40, s14;
	v4 =	vsub.f32 $1.500000000e+00, v21;
	v14 =	vld [tilespmem:s0+$0x0];
	v17 =	vmul.f32 v15, v22;
	[dreg:$0xd] =	wrdreg s22;
	v9 =	vmul.f32 v13, v9  }
0x92: {  	s16 =	sor.u32 s25, s6;
	v7 =	vsub.s32 $0x5F3759DF, v7;
	v2 =	vmul.f32 v2, v18;
	v22 =	vld [tilespmem:s22+$0x0];
	v21 =	vmul.f32 v23, v12  }
0x93: {  	v24 =	vld [tilespmem:s16+$0x0];
	v13 =	vmul.f32 v20, v4;
	v4 =	vsub.f32 $1.500000000e+00, v17;
	v17 =	vmul.f32 v7, v26  }
0x94: {  	v3 =	vmul.f32 v9, v3;
	v32 =	vmul.f32 v11, v8  }
0x95: {  	v20 =	vmul.f32 v21, v23;
	v21 =	vsub.f32 $1.500000000e+00, v19;
	v19 =	vmul.f32 v13, v16  }
0x96: {  	s5 =	simm.s32 $0xB0;
	v17 =	vmul.f32 v7, v17;
	v4 =	vmul.f32 v15, v4  }
0x97: {  	s14 =	sand.u32 $0x70, s5;
	v14 =	vadd.f32 $1.000000000e+00, v14;
	v20 =	vsub.f32 $1.500000000e+00, v20;
	v15 =	vmul.f32 v19, v13  }
0x98: {  	s1 =	sor.u32 s14, s6;
	v19 =	vadd.f32 $1.000000000e+00, v22;
	v22 =	vmul.f32 v4, v10;
	v24 =	vadd.f32 $1.000000000e+00, v24  }
0x99: {  	[dreg:$0x14] =	wrdreg s1;
	v17 =	vsub.f32 $1.500000000e+00, v17;
	v25 =	vshra.s32 v14, $0x1;
	v14 =	vmul.f32 $5.000000000e-01, v14  }
0x9a: {  	v28 =	vld [tilespmem:s1+$0x0];
	v27 =	vshra.s32 v19, $0x1;
	v1 =	vmul.f32 $5.000000000e-01, v19;
	v29 =	vshra.s32 v24, $0x1  }
0x9b: {  	v19 =	vmul.f32 $5.000000000e-01, v24;
	v30 =	vsub.s32 $0x5F3759DF, v25;
	v31 =	vmul.f32 v7, v17  }
0x9c: {  	v20 =	vmul.f32 v20, v23;
	v24 =	vsub.s32 $0x5F3759DF, v27;
	v27 =	vmul.f32 v3, v9  }
0x9d: {  	v29 =	vsub.s32 $0x5F3759DF, v29;
	v3 =	vmul.f32 v22, v4;
	v33 =	vmul.f32 v30, v14  }
0x9e: {  	v22 =	vmul.f32 v29, v19;
	v25 =	vmul.f32 v24, v1  }
0x9f: {  	s7 =	simm.s32 $0xC0;
	v28 =	vadd.f32 $1.000000000e+00, v28;
	v40 =	vmul.f32 v31, v26;
	v12 =	vmul.f32 v20, v12  }
0xa0: {  	s10 =	simm.s32 $0xE0;
	s5 =	sand.u32 $0x3F80, s7;
	v3 =	vsub.f32 $1.500000000e+00, v3;
	v22 =	vmul.f32 v29, v22;
	v7 =	vmul.f32 v24, v25  }
0xa1: {  	s8 =	sand.u32 $0x60, s10;
	s12 =	sadd.s32 $0x13B80, s5;
	v17 =	vshra.s32 v28, $0x1;
	v25 =	vmul.f32 v30, v33;
	v12 =	vmul.f32 v12, v20  }
0xa2: {  	s11 =	simm.s32 $0xD0;
	s9 =	sor.u32 s8, s12;
	[dreg:$0x9] =	wrdreg s8;
	v34 =	vmul.f32 v3, v4;
	v3 =	vmul.f32 $5.000000000e-01, v28;
	v4 =	vsub.f32 $1.500000000e+00, v22  }
0xa3: {  	s6 =	sand.u32 $0x50, s11;
	[dreg:$0x1d] =	wrdreg s9;
	v28 =	vsub.s32 $0x5F3759DF, v17;
	v17 =	vsub.f32 $1.500000000e+00, v27;
	v22 =	vmul.f32 v32, v11  }
0xa4: {  	v7 =	vsub.f32 $1.500000000e+00, v7;
	v33 =	vsub.f32 $1.500000000e+00, v25;
	v35 =	vmul.f32 v29, v4;
	v4 =	vld [tilespmem:s9+$0x0];
	[dreg:$0x7] =	wrdreg s6;
	s9 =	sor.u32 s6, s12  }
0xa5: {  	s22 =	sand.u32 $0x40, s7;
	v25 =	vsub.f32 $1.500000000e+00, v15;
	v61 =	vmul.f32 v28, v3;
	v37 =	vmul.f32 v34, v10;
	[dreg:$0x11] =	wrdreg s9  }
0xa6: {  	s10 =	sor.u32 s22, s12;
	v17 =	vmul.f32 v17, v9;
	v7 =	vmul.f32 v24, v7;
	v29 =	vld [tilespmem:s9+$0x0];
	[dreg:$0x12] =	wrdreg s22  }
0xa7: {  	v15 =	vmul.f32 v30, v33;
	v25 =	vmul.f32 v25, v13;
	[dreg:$0x19] =	wrdreg s10  }
0xa8: {  	v22 =	vsub.f32 $1.500000000e+00, v22;
	v32 =	vmul.f32 v28, v61;
	v37 =	vmul.f32 v37, v34;
	v27 =	vld [tilespmem:s10+$0x0]  }
0xa9: {  	v24 =	vmul.f32 v35, v19;
	v36 =	vmul.f32 v7, v1  }
0xaa: {  	s11 =	simm.s32 $0xF0;
	v2 =	vsub.f32 $1.500000000e+00, v2;
	v23 =	vmul.f32 v15, v14;
	v46 =	vmul.f32 v22, v11  }
0xab: {  	s1 =	sand.u32 $0x70, s11;
	v32 =	vsub.f32 $1.500000000e+00, v32;
	v38 =	vmul.f32 v24, v35;
	v4 =	vadd.f32 $1.000000000e+00, v4  }
0xac: {  	[dreg:$0xe] =	wrdreg s1;
	v24 =	vmul.f32 v2, v18;
	v18 =	vmul.f32 v36, v7;
	v2 =	vadd.f32 $1.000000000e+00, v29  }
0xad: {  	s1 =	sor.u32 s1, s12;
	[tilespmem:s2+$0x0] =	vst v17;
	v8 =	vmul.f32 v46, v8;
	v29 =	vshra.s32 v4, $0x1;
	v9 =	vadd.f32 $1.000000000e+00, v27  }
0xae: {  	[dreg:$0x15] =	wrdreg s1;
	v27 =	vmul.f32 $5.000000000e-01, v4;
	v63 =	vsub.s32 $0x5F3759DF, v29;
	v10 =	vshra.s32 v2, $0x1  }
0xaf: {  	s7 =	simm.s32 $0x9DA0;
	v4 =	vld [tilespmem:s1+$0x0];
	v30 =	vshra.s32 v9, $0x1;
	v62 =	vsub.s32 $0x5F3759DF, v10;
	v10 =	vmul.f32 $5.000000000e-01, v9  }
0xb0: {  	v29 =	vld [tilespmem:s7+$0x0];
	v2 =	vmul.f32 $5.000000000e-01, v2;
	v9 =	vmul.f32 v23, v15;
	v30 =	vsub.s32 $0x5F3759DF, v30  }
0xb1: {  	v41 =	vmul.f32 v63, v27;
	v39 =	vmul.f32 v30, v10  }
0xb2: {  	v23 =	vmul.f32 v62, v2;
	v42 =	vsub.f32 $1.500000000e+00, v9;
	v9 =	vmul.f32 v28, v32  }
0xb3: {  	v37 =	vsub.f32 $1.500000000e+00, v37;
	v49 =	vmul.f32 v63, v41;
	v47 =	vmul.f32 v30, v39  }
0xb4: {  	s12 =	simm.s32 $0x100;
	v48 =	vadd.f32 $1.000000000e+00, v4;
	v28 =	vmul.f32 v42, v15;
	v15 =	vmul.f32 v62, v23  }
0xb5: {  	s22 =	simm.s32 $0x120;
	s6 =	sand.u32 $0x3F80, s12;
	v42 =	vmul.f32 v17, v29;
	v29 =	vmul.f32 v40, v31;
	v23 =	vsub.f32 $1.500000000e+00, v47  }
0xb6: {  	s8 =	sand.u32 $0x60, s22;
	s11 =	sadd.s32 $0x13B80, s6;
	v4 =	vmul.f32 $5.000000000e-01, v48;
	v15 =	vsub.f32 $1.500000000e+00, v15;
	v14 =	vmul.f32 v28, v14  }
0xb7: {  	s10 =	simm.s32 $0x110;
	s9 =	sor.u32 s8, s11;
	[dreg:$0xa] =	wrdreg s8;
	v39 =	vshra.s32 v48, $0x1;
	v32 =	vmul.f32 v30, v23;
	v30 =	vmul.f32 v21, v6  }
0xb8: {  	s2 =	sand.u32 $0x50, s10;
	[dreg:$0x1c] =	wrdreg s9;
	v21 =	vsub.s32 $0x5F3759DF, v39;
	v6 =	vmul.f32 v62, v15;
	v59 =	vmul.f32 v14, v28  }
0xb9: {  	v23 =	vld [tilespmem:s9+$0x0];
	[dreg:$0xc] =	wrdreg s2;
	s2 =	sor.u32 s2, s11;
	v15 =	vsub.f32 $1.500000000e+00, v18;
	v52 =	vmul.f32 v21, v4;
	v18 =	vmul.f32 v32, v10  }
0xba: {  	s1 =	sand.u32 $0x40, s12;
	v39 =	vsub.f32 $1.500000000e+00, v49;
	[dreg:$0x18] =	wrdreg s2;
	v43 =	vmul.f32 v6, v2;
	v45 =	vmul.f32 v30, v5  }
0xbb: {  	v38 =	vsub.f32 $1.500000000e+00, v38;
	v50 =	vld [tilespmem:s2+$0x0];
	[dreg:$0xf] =	wrdreg s1;
	s1 =	sor.u32 s1, s11;
	v41 =	vmul.f32 v21, v52;
	v44 =	vmul.f32 v18, v32  }
0xbc: {  	[dreg:$0x1b] =	wrdreg s1;
	v18 =	vsub.f32 $1.500000000e+00, v12;
	v12 =	vmul.f32 v37, v34;
	v34 =	vmul.f32 v63, v39  }
0xbd: {  	s12 =	simm.s32 $0x130;
	v51 =	vld [tilespmem:s1+$0x0];
	v33 =	vmul.f32 v43, v6;
	v37 =	vmul.f32 v38, v35  }
0xbe: {  	s1 =	sand.u32 $0x70, s12;
	v45 =	vmul.f32 v45, v30;
	v63 =	vmul.f32 v8, v46;
	v22 =	vsub.f32 $1.500000000e+00, v41  }
0xbf: {  	[dreg:$0x10] =	wrdreg s1;
	v18 =	vmul.f32 v18, v20;
	v20 =	vadd.f32 $1.000000000e+00, v23;
	v55 =	vmul.f32 v34, v27  }
0xc0: {  	s1 =	sor.u32 s1, s11;
	[tilespmem:s3+$0x0] =	vst v24;
	v44 =	vsub.f32 $1.500000000e+00, v44;
	v19 =	vmul.f32 v37, v19;
	v5 =	vadd.f32 $1.000000000e+00, v50  }
0xc1: {  	[dreg:$0x16] =	wrdreg s1;
	v56 =	vshra.s32 v20, $0x1;
	v20 =	vmul.f32 $5.000000000e-01, v20;
	v14 =	vmul.f32 v55, v34  }
0xc2: {  	v23 =	vld [tilespmem:s7+$0xFFFFFFE0];
	v55 =	vmul.f32 v19, v37;
	v54 =	vadd.f32 $1.000000000e+00, v51;
	v57 =	vshra.s32 v5, $0x1  }
0xc3: {  	s3 =	simm.s32 $0x9DE0;
	v53 =	vld [tilespmem:s1+$0x0];
	[tilespmem:s17+$0x0] =	vst v12;
	v5 =	vmul.f32 $5.000000000e-01, v5;
	v60 =	vsub.s32 $0x5F3759DF, v56;
	v40 =	vsub.s32 $0x5F3759DF, v57  }
0xc4: {  	v48 =	vld [tilespmem:s3+$0x0];
	v62 =	vmul.f32 v60, v20;
	v50 =	vsub.f32 $1.500000000e+00, v14;
	v14 =	vmul.f32 v21, v22  }
0xc5: {  	v58 =	vshra.s32 v54, $0x1;
	v11 =	vmul.f32 $5.000000000e-01, v54;
	v47 =	vmul.f32 v40, v5  }
0xc6: {  	v43 =	vsub.s32 $0x5F3759DF, v58;
	v22 =	vmul.f32 v50, v34;
	v54 =	vmul.f32 v60, v62  }
0xc7: {  	s10 =	sadd.s32 $0xC500, s13;
	s13 =	simm.s32 $0x140;
	v45 =	vsub.f32 $1.500000000e+00, v45;
	v49 =	vmul.f32 v24, v23;
	v61 =	vmul.f32 v43, v11  }
0xc8: {  	s22 =	sand.u32 $0x40, s13;
	s8 =	sand.u32 $0x3F80, s13;
	s17 =	simm.s32 $0x160;
	v36 =	vadd.f32 $1.000000000e+00, v53;
	v23 =	vmul.f32 v9, v3;
	v50 =	vmul.f32 v40, v47  }
0xc9: {  	s9 =	sor.u32 s24, s10;
	s2 =	sadd.s32 $0x13B80, s8;
	v39 =	vsub.f32 $1.500000000e+00, v63;
	s11 =	sand.u32 $0x60, s17;
	v52 =	vmul.f32 v12, v48;
	v21 =	vmul.f32 v43, v61;
	[tilespmem:s7+$0xFFFFFFE0] =	vst v49  }
0xca: {  	s12 =	simm.s32 $0x150;
	s29 =	sor.u32 s11, s2;
	v51 =	vshra.s32 v36, $0x1;
	v13 =	vsub.f32 $1.500000000e+00, v50;
	v49 =	vmul.f32 v45, v30;
	v53 =	vld [tilespmem:s9+$0x0];
	[dreg:$0x1a] =	wrdreg s11  }
0xcb: {  	s24 =	sand.u32 $0x50, s12;
	v23 =	vmul.f32 v23, v9;
	v8 =	vmul.f32 $5.000000000e-01, v36;
	v30 =	vsub.f32 $1.500000000e+00, v59;
	v56 =	vld [tilespmem:s29+$0x0];
	[dreg:$0x1e] =	wrdreg s22  }
0xcc: {  	s30 =	sor.u32 s22, s2;
	s1 =	sor.u32 s24, s2;
	v45 =	vmul.f32 v22, v27;
	v47 =	vsub.s32 $0x5F3759DF, v51;
	v13 =	vmul.f32 v40, v13;
	s22 =	simm.s32 $0x170;
	[tilespmem:s31+$0x0] =	vst v49  }
0xcd: {  	v21 =	vsub.f32 $1.500000000e+00, v21;
	v40 =	vmul.f32 v39, v46;
	v62 =	vmul.f32 v47, v8;
	v58 =	vld [tilespmem:s30+$0x0];
	s28 =	sand.u32 $0x70, s22;
	[dreg:$0x1f] =	wrdreg s1  }
0xce: {  	v19 =	vsub.f32 $1.500000000e+00, v33;
	v46 =	vmul.f32 v25, v16;
	v16 =	vmul.f32 v30, v28;
	s31 =	sor.u32 s28, s2;
	v61 =	vld [tilespmem:s1+$0x0]  }
0xcf: {  	v41 =	vsub.f32 $1.500000000e+00, v55;
	v28 =	vmul.f32 v44, v32;
	v21 =	vmul.f32 v43, v21;
	v38 =	vld [tilespmem:s31+$0x0]  }
0xd0: {  	s17 =	sor.u32 s26, s10;
	v63 =	vmul.f32 v13, v5;
	[tilespmem:s7+$0x0] =	vst v42;
	v36 =	vmul.f32 v24, v53;
	v24 =	vsub.f32 $1.500000000e+00, v54;
	v54 =	vld [tilespmem:s7+$0xFFFFFFF0]  }
0xd1: {  	v51 =	vsub.f32 $1.500000000e+00, v29;
	v39 =	vmul.f32 v45, v22;
	[tilespmem:s15+$0x0] =	vst v40;
	v57 =	vmul.f32 v21, v11;
	v55 =	vld [tilespmem:s17+$0x0]  }
0xd2: {  	v50 =	vmul.f32 v47, v62;
	v29 =	vld [tilespmem:s7+$0x10];
	v30 =	vmul.f32 v63, v13;
	v56 =	vadd.f32 $1.000000000e+00, v56  }
0xd3: {  	[tilespmem:s20+$0x0] =	vst v18;
	v27 =	vmul.f32 v57, v21;
	v35 =	vmul.f32 v60, v24;
	v33 =	vadd.f32 $1.000000000e+00, v58  }
0xd4: {  	v62 =	vld [tilespmem:s3+$0xFFFFFFE0];
	v24 =	vmul.f32 v41, v37;
	v63 =	vshra.s32 v56, $0x1;
	v59 =	vadd.f32 $1.000000000e+00, v61  }
0xd5: {  	v60 =	vmul.f32 v35, v20;
	v53 =	vshra.s32 v33, $0x1;
	v61 =	vmul.f32 v49, v54  }
0xd6: {  	v42 =	vadd.f32 $1.000000000e+00, v38;
	v38 =	vmul.f32 v51, v31;
	v33 =	vmul.f32 $5.000000000e-01, v33  }
0xd7: {  	s26 =	sor.u32 s21, s10;
	v27 =	vsub.f32 $1.500000000e+00, v27;
	v48 =	vmul.f32 v17, v55;
	v58 =	vmul.f32 v40, v29;
	[tilespmem:s7+$0xFFFFFFF0] =	vst v61  }
0xd8: {  	v34 =	vsub.s32 $0x5F3759DF, v63;
	v29 =	vmul.f32 $5.000000000e-01, v56;
	v54 =	vmul.f32 v46, v25;
	v55 =	vld [tilespmem:s26+$0x0]  }
0xd9: {  	s21 =	sor.u32 s23, s10;
	v45 =	vmul.f32 v18, v62;
	v43 =	vsub.s32 $0x5F3759DF, v53;
	v46 =	vmul.f32 v14, v4;
	[tilespmem:s7+$0x10] =	vst v58  }
0xda: {  	[tilespmem:s0+$0x0] =	vst v16;
	v57 =	vshra.s32 v59, $0x1;
	v17 =	vmul.f32 $5.000000000e-01, v59;
	v59 =	vmul.f32 v60, v35;
	v32 =	vld [tilespmem:s21+$0x0]  }
0xdb: {  	[tilespmem:s3+$0x0] =	vst v52;
	v31 =	vshra.s32 v42, $0x1;
	v60 =	vmul.f32 v43, v33;
	v63 =	vmul.f32 v38, v26  }
0xdc: {  	s23 =	sadd.s32 $0xC500, s4;
	s4 =	simm.s32 $0x9E20;
	[tilespmem:s9+$0x0] =	vst v36;
	v37 =	vsub.s32 $0x5F3759DF, v57;
	v61 =	vsub.f32 $1.500000000e+00, v50;
	v41 =	vmul.f32 v34, v29  }
0xdd: {  	s20 =	sadd.s32 $0xC500, s5;
	s15 =	sadd.s32 $0xC500, s6;
	s0 =	sadd.s32 $0xC500, s8;
	[tilespmem:s16+$0x0] =	vst v24;
	v31 =	vsub.s32 $0x5F3759DF, v31;
	v44 =	vmul.f32 v37, v17;
	v62 =	vmul.f32 v49, v55  }
0xde: {  	s5 =	simm.s32 $0x9E60;
	s6 =	simm.s32 $0x1B0;
	[tilespmem:s17+$0x0] =	vst v48;
	s17 =	sadd.s32 $0xC500, s19;
	v48 =	vld [tilespmem:s4+$0x0];
	v50 =	vsub.f32 $1.500000000e+00, v59;
	v36 =	vmul.f32 v43, v60;
	v26 =	vmul.f32 v47, v61  }
0xdf: {  	s16 =	simm.s32 $0x9EA0;
	s7 =	sor.u32 s18, s17;
	s18 =	simm.s32 $0x14;
	v47 =	vsub.f32 $1.500000000e+00, v54;
	v40 =	vmul.f32 v40, v32;
	v32 =	vld [tilespmem:s4+$0xFFFFFFE0];
	v49 =	vmul.f32 v63, v38;
	[tilespmem:s26+$0x0] =	vst v62  }
.LBB2_6:
0xe0: {  	s1 =	sadd.s32 $0xFFFFFFD0, s6;
	s2 =	sadd.s32 $0xFFFFFFE0, s6  }
0xe1: {  	s8 =	sadd.s32 $0xFFFFFFF0, s6;
	s19 =	smov.u32 s24;
	s9 =	sand.u32 $0x70, s6  }
0xe2: {  	s24 =	rddreg [dreg:$0xf];
	s12 =	sand.u32 $0x40, s1;
	s13 =	sand.u32 $0x3F80, s1  }
0xe3: {  	s11 =	sand.u32 $0x50, s2;
	s1 =	sand.u32 $0x60, s8;
	s26 =	sadd.s32 $0x13B80, s13  }
0xe4: {  	s22 =	sadd.s32 $0xC500, s13;
	s10 =	sor.u32 s12, s26;
	s2 =	sor.u32 s11, s26  }
0xe5: {  	[tilespmem:s21+$0x0] =	vst v40;
	s21 =	sor.u32 s1, s26;
	s13 =	sor.u32 s9, s26;
	s26 =	rddreg [dreg:$0x12]  }
0xe6: {  	s8 =	smov.u32 s26;
	s26 =	smov.u32 s24  }
0xe7: {  	[dreg:$0x12] =	wrdreg s26  }
0xe8: {  	s26 =	rddreg [dreg:$0x1e]  }
0xe9: {  	s24 =	smov.u32 s26  }
0xea: {  	s26 =	smov.u32 s12;
	s12 =	smov.u32 s5;
	s5 =	rddreg [dreg:$0xd]  }
0xeb: {  	[dreg:$0xf] =	wrdreg s24  }
0xec: {  	v56 =	vmul.f32 v34, v41;
	v41 =	vmul.f32 v47, v25;
	[dreg:$0x1e] =	wrdreg s26  }
0xed: {  	s26 =	rddreg [dreg:$0xb]  }
0xee: {  	v59 =	vld [tilespmem:s2+$0x0];
	[tilespmem:s26+$0x0] =	vst v41;
	s26 =	smov.u32 s5;
	s5 =	rddreg [dreg:$0x11]  }
0xef: {  	[dreg:$0xb] =	wrdreg s26  }
0xf0: {  	s26 =	smov.u32 s5;
	s5 =	rddreg [dreg:$0x18]  }
0xf1: {  	v53 =	vsub.f32 $1.500000000e+00, v49;
	[dreg:$0xd] =	wrdreg s26  }
0xf2: {  	s26 =	smov.u32 s5;
	s5 =	rddreg [dreg:$0x4]  }
0xf3: {  	v40 =	vmul.f32 v53, v38;
	[dreg:$0x11] =	wrdreg s26  }
0xf4: {  	s26 =	rddreg [dreg:$0x13]  }
0xf5: {  	s24 =	rddreg [dreg:$0x8];
	[tilespmem:s26+$0x0] =	vst v40;
	s26 =	smov.u32 s14;
	s14 =	smov.u32 s5  }
0xf6: {  	[dreg:$0x8] =	wrdreg s14  }
0xf7: {  	s14 =	rddreg [dreg:$0x9]  }
0xf8: {  	[tilespmem:s3+$0xFFFFFFE0] =	vst v45;
	s5 =	smov.u32 s14  }
0xf9: {  	v45 =	vld [tilespmem:s7+$0x0];
	[dreg:$0x4] =	wrdreg s5  }
0xfa: {  	s5 =	rddreg [dreg:$0xa]  }
0xfb: {  	s14 =	smov.u32 s5;
	s5 =	rddreg [dreg:$0x1a]  }
0xfc: {  	[dreg:$0x9] =	wrdreg s14;
	s14 =	smov.u32 s5  }
0xfd: {  	[dreg:$0xa] =	wrdreg s14  }
0xfe: {  	v63 =	vsub.f32 $1.500000000e+00, v36;
	v45 =	vmul.f32 v18, v45;
	s14 =	smov.u32 s1;
	s1 =	rddreg [dreg:$0x1f]  }
0xff: {  	[dreg:$0x1a] =	wrdreg s14  }
0x100: {  	v52 =	vmul.f32 v28, v10;
	v10 =	vmovc v11;
	v11 =	vmov v33;
	v33 =	vmul.f32 v43, v63;
	v43 =	vld [tilespmem:s10+$0x0];
	[tilespmem:s7+$0x0] =	vst v45;
	s7 =	smov.u32 s1;
	s1 =	rddreg [dreg:$0x14]  }
0x101: {  	s14 =	smov.u32 s2;
	s2 =	rddreg [dreg:$0x1c]  }
0x102: {  	[dreg:$0x18] =	wrdreg s7  }
0x103: {  	[dreg:$0x1f] =	wrdreg s14  }
0x104: {  	s7 =	rddreg [dreg:$0x15]  }
0x105: {  	s5 =	smov.u32 s1;
	s1 =	rddreg [dreg:$0x16]  }
0x106: {  	[dreg:$0x13] =	wrdreg s5;
	s14 =	smov.u32 s7  }
0x107: {  	v58 =	vsub.f32 $1.500000000e+00, v56;
	v56 =	vld [tilespmem:s13+$0x0];
	s7 =	smov.u32 s31;
	s31 =	smov.u32 s13;
	s13 =	rddreg [dreg:$0x5]  }
0x108: {  	s5 =	smov.u32 s1;
	[dreg:$0x14] =	wrdreg s14  }
0x109: {  	[dreg:$0x15] =	wrdreg s5  }
0x10a: {  	[dreg:$0x16] =	wrdreg s7  }
0x10b: {  	v30 =	vsub.f32 $1.500000000e+00, v30;
	v55 =	vmul.f32 v15, v7;
	v48 =	vmul.f32 v16, v48;
	s14 =	rddreg [dreg:$0x1d]  }
0x10c: {  	v35 =	vmul.f32 v50, v35;
	v44 =	vmul.f32 v37, v44;
	v39 =	vsub.f32 $1.500000000e+00, v39;
	s1 =	sor.u32 s13, s17;
	s13 =	rddreg [dreg:$0x7]  }
0x10d: {  	v46 =	vmul.f32 v46, v14;
	v36 =	vmul.f32 $5.000000000e-01, v42;
	[tilespmem:s4+$0x0] =	vst v48;
	s5 =	smov.u32 s2;
	s2 =	rddreg [dreg:$0x10]  }
0x10e: {  	v15 =	vmovc v19;
	v19 =	vmovc v30;
	v42 =	vmul.f32 v52, v28;
	v25 =	vmov v55;
	v39 =	vmul.f32 v39, v22;
	v30 =	vld [tilespmem:s21+$0x0];
	s7 =	smov.u32 s29;
	[dreg:$0x1d] =	wrdreg s5  }
0x10f: {  	v54 =	vsub.f32 $1.500000000e+00, v44;
	v60 =	vmul.f32 v31, v36;
	v49 =	vmul.f32 v25, v1;
	s24 =	sor.u32 s24, s17;
	v62 =	vld [tilespmem:s3+$0xFFFFFFF0];
	[dreg:$0x1c] =	wrdreg s7  }
0x110: {  	v57 =	vmul.f32 v33, v11;
	v48 =	vmul.f32 v35, v20;
	v20 =	vmov v29;
	v29 =	vld [tilespmem:s24+$0x0];
	s29 =	smov.u32 s21;
	[tilespmem:s14+$0x0] =	vst v39;
	s14 =	rddreg [dreg:$0x6]  }
0x111: {  	v7 =	vmovc v6;
	v6 =	vmov v13;
	v13 =	vmul.f32 v37, v54;
	v51 =	vmul.f32 v31, v60;
	v63 =	vld [tilespmem:s3+$0x10];
	s7 =	smov.u32 s2;
	s21 =	smov.u32 s14;
	s14 =	smov.u32 s13  }
0x112: {  	v44 =	vsub.f32 $1.500000000e+00, v23;
	v22 =	vmovc v35;
	v35 =	vmul.f32 v34, v58;
	v18 =	vmovc v24;
	v24 =	vmul.f32 v57, v33;
	s13 =	smov.u32 s19;
	s19 =	smov.u32 s26;
	s26 =	rddreg [dreg:$0xe]  }
0x113: {  	v42 =	vsub.f32 $1.500000000e+00, v42;
	v49 =	vmul.f32 v49, v25;
	v61 =	vmul.f32 v13, v17;
	[dreg:$0xe] =	wrdreg s7  }
0x114: {  	v1 =	vmovc v2;
	v51 =	vsub.f32 $1.500000000e+00, v51;
	v58 =	vmul.f32 v35, v20;
	v52 =	vsub.f32 $1.500000000e+00, v24;
	[dreg:$0x5] =	wrdreg s21  }
0x115: {  	v2 =	vmovc v5;
	v5 =	vmovc v17;
	v24 =	vmul.f32 v42, v28;
	v17 =	vadd.f32 $1.000000000e+00, v59;
	v59 =	vmul.f32 v41, v62;
	[dreg:$0x6] =	wrdreg s14  }
0x116: {  	v28 =	vmul.f32 v27, v21;
	v43 =	vadd.f32 $1.000000000e+00, v43;
	v62 =	vmul.f32 v40, v63;
	s21 =	rddreg [dreg:$0xc]  }
0x117: {  	s18 =	sadd.s32 $0x4, s18;
	s6 =	sadd.s32 $0x40, s6;
	v45 =	vmul.f32 v18, v32;
	v47 =	vmul.f32 v58, v35;
	v38 =	vshra.s32 v17, $0x1;
	[tilespmem:s3+$0xFFFFFFF0] =	vst v59;
	[dreg:$0xc] =	wrdreg s13  }
0x118: {  	p1 =	slt.u32 s18, $0x274;
	v57 =	vadd.f32 $1.000000000e+00, v30;
	v30 =	vmul.f32 v61, v13;
	v61 =	vmul.f32 v12, v29;
	[tilespmem:s3+$0x10] =	vst v62;
	s3 =	smov.u32 s4;
	s14 =	rddreg [dreg:$0x17]  }
0x119: {  	v21 =	vmovc v33;
	v17 =	vmul.f32 $5.000000000e-01, v17;
	v33 =	vmul.f32 $5.000000000e-01, v43;
	v37 =	vsub.s32 $0x5F3759DF, v38;
	s4 =	smov.u32 s12;
	s5 =	smov.u32 s16;
	[dreg:$0x17] =	wrdreg s19  }
0x11a: {  	v38 =	vmul.f32 v44, v9;
	v9 =	vmovc v14;
	v14 =	vmovc v26;
	v50 =	vsub.f32 $1.500000000e+00, v47;
	v47 =	vsub.f32 $1.500000000e+00, v49;
	s16 =	sadd.s32 $0x40, s16;
	v53 =	vld [tilespmem:s1+$0x0];
	[tilespmem:s24+$0x0] =	vst v61;
	s13 =	rddreg [dreg:$0x19];
	s24 =	smov.u32 s21  }
0x11b: {  	v23 =	vmovc v46;
	v44 =	vmul.f32 v37, v17;
	v46 =	vmul.f32 v14, v8;
	v60 =	vshra.s32 v57, $0x1;
	s21 =	sor.u32 s14, s17;
	s14 =	smov.u32 s26;
	s17 =	rddreg [dreg:$0x1b]  }
0x11c: {  	v63 =	vshra.s32 v43, $0x1;
	v42 =	vadd.f32 $1.000000000e+00, v56;
	v56 =	vmul.f32 v38, v3;
	s26 =	smov.u32 s30;
	s30 =	smov.u32 s10;
	[dreg:$0x7] =	wrdreg s24;
	v54 =	vld [tilespmem:s21+$0x0]  }
.Ltmp2:
0x11d: {  	v29 =	vmul.f32 $5.000000000e-01, v57;
	v34 =	vsub.s32 $0x5F3759DF, v60;
	v43 =	vsub.s32 $0x5F3759DF, v63;
	s24 =	smov.u32 s11;
	s11 =	smov.u32 s28;
	(pc) =	sbr.rel @p1 .LBB2_6-.Ltmp2, $4  }
0x11e: {  	v27 =	vmovc v52;
	v12 =	vmovc v16;
	v26 =	vshra.s32 v42, $0x1;
	v52 =	vmul.f32 v43, v33;
	v49 =	vmul.f32 v56, v38;
	s28 =	smov.u32 s9;
	s19 =	smov.u32 s17;
	[dreg:$0x1b] =	wrdreg s26  }
0x11f: {  	v16 =	vmovc v39;
	v3 =	vmovc v4;
	v55 =	vsub.s32 $0x5F3759DF, v26;
	v26 =	vmul.f32 v31, v51;
	s17 =	smov.u32 s23;
	s23 =	smov.u32 s20;
	s20 =	smov.u32 s15;
	v53 =	vmul.f32 v41, v53  }
0x120: {  	v4 =	vmovc v8;
	v8 =	vmov v36;
	v36 =	vmul.f32 v43, v52;
	v39 =	vmul.f32 v48, v22;
	v48 =	vld [tilespmem:s12+$0x0];
	[tilespmem:s13+$0x0] =	vst v24;
	s15 =	smov.u32 s0;
	s0 =	smov.u32 s22;
	[dreg:$0x10] =	wrdreg s11  }
0x121: {  	v31 =	vmov v55;
	v32 =	vld [tilespmem:s12+$0xFFFFFFE0];
	[dreg:$0x19] =	wrdreg s19;
	v41 =	vmul.f32 v34, v29;
	s7 =	sor.u32 s25, s17;
	s25 =	smov.u32 s8;
	[tilespmem:s1+$0x0] =	vst v53;
	v40 =	vmul.f32 v40, v54  }
0x122: {  	[tilespmem:s3+$0xFFFFFFE0] =	vst v45;
	v58 =	vsub.f32 $1.500000000e+00, v49;
	v25 =	vmul.f32 v47, v25  }
0x123: {  	s1 =	rddreg [dreg:$0xb]  }
0x124: {  	v38 =	vmul.f32 v58, v38;
	[tilespmem:s1+$0x0] =	vst v25  }
0x125: {  	v50 =	vmul.f32 v50, v35;
	s1 =	rddreg [dreg:$0x13]  }
0x126: {  	v44 =	vmul.f32 v37, v44;
	v46 =	vmul.f32 v46, v14;
	v62 =	vld [tilespmem:s3+$0xFFFFFFF0];
	[tilespmem:s1+$0x0] =	vst v38  }
0x127: {  	v35 =	vmul.f32 $5.000000000e-01, v42;
	v10 =	vmul.f32 v28, v10;
	v49 =	vld [tilespmem:s3+$0x10]  }
0x128: {  	v15 =	vmul.f32 v15, v7;
	v21 =	vmul.f32 v27, v21  }
0x129: {  	v23 =	vsub.f32 $1.500000000e+00, v23;
	v6 =	vmul.f32 v19, v6;
	v41 =	vmul.f32 v34, v41  }
0x12a: {  	v36 =	vsub.f32 $1.500000000e+00, v36;
	v10 =	vmul.f32 v10, v28;
	v51 =	vmul.f32 v15, v1  }
0x12b: {  	v9 =	vmul.f32 v23, v9;
	v54 =	vmul.f32 v25, v62  }
0x12c: {  	v39 =	vsub.f32 $1.500000000e+00, v39;
	v36 =	vmul.f32 v43, v36;
	v55 =	vmul.f32 v38, v49  }
0x12d: {  	v10 =	vsub.f32 $1.500000000e+00, v10;
	v3 =	vmul.f32 v9, v3;
	v56 =	vmul.f32 v51, v15;
	s1 =	rddreg [dreg:$0x8];
	[tilespmem:s3+$0xFFFFFFF0] =	vst v54  }
0x12e: {  	v61 =	vmul.f32 v31, v35;
	v1 =	vmul.f32 v39, v22;
	s19 =	rddreg [dreg:$0x5];
	[tilespmem:s3+$0x10] =	vst v55  }
0x12f: {  	v57 =	vld [tilespmem:s7+$0x0];
	v10 =	vmul.f32 v10, v28;
	v3 =	vmul.f32 v3, v9;
	v28 =	vsub.f32 $1.500000000e+00, v56;
	s22 =	rddreg [dreg:$0x17]  }
0x130: {  	v59 =	vsub.f32 $1.500000000e+00, v44;
	v20 =	vmul.f32 v50, v20;
	v11 =	vmul.f32 v21, v11;
	s3 =	rddreg [dreg:$0x1d];
	[tilespmem:s21+$0x0] =	vst v40  }
0x131: {  	v2 =	vmul.f32 v6, v2;
	s2 =	sor.u32 s1, s17;
	v3 =	vsub.f32 $1.500000000e+00, v3;
	v15 =	vmul.f32 v28, v15;
	[tilespmem:s3+$0x0] =	vst v1  }
0x132: {  	v48 =	vmul.f32 v16, v48;
	v7 =	vmul.f32 v37, v59;
	v52 =	vld [tilespmem:s2+$0x0];
	s3 =	rddreg [dreg:$0xd]  }
0x133: {  	v47 =	vsub.f32 $1.500000000e+00, v46;
	v43 =	vmul.f32 v31, v61;
	v3 =	vmul.f32 v3, v9;
	s6 =	sor.u32 s19, s17;
	[tilespmem:s3+$0x0] =	vst v15  }
0x134: {  	v41 =	vsub.f32 $1.500000000e+00, v41;
	v61 =	vmul.f32 v24, v32;
	v18 =	vmul.f32 v18, v57;
	v57 =	vld [tilespmem:s6+$0x0];
	s3 =	rddreg [dreg:$0x14]  }
0x135: {  	v60 =	vmul.f32 v36, v33;
	v20 =	vmul.f32 v20, v50;
	s1 =	sor.u32 s22, s17;
	v45 =	vld [tilespmem:s4+$0xFFFFFFF0];
	[tilespmem:s3+$0x0] =	vst v3  }
0x136: {  	v14 =	vmul.f32 v47, v14;
	v53 =	vmul.f32 v34, v41;
	v59 =	vld [tilespmem:s1+$0x0];
	s3 =	rddreg [dreg:$0x19];
	[tilespmem:s4+$0xFFFFFFE0] =	vst v61  }
0x137: {  	s25 =	sor.u32 s25, s23;
	v11 =	vmul.f32 v11, v21;
	v12 =	vmul.f32 v12, v52;
	v49 =	vld [tilespmem:s4+$0x10];
	[tilespmem:s7+$0x0] =	vst v18  }
0x138: {  	v2 =	vmul.f32 v2, v6;
	v58 =	vmul.f32 v53, v29;
	[tilespmem:s3+$0x0] =	vst v10;
	v18 =	vld [tilespmem:s25+$0x0]  }
0x139: {  	v63 =	vmul.f32 v7, v17;
	v25 =	vmul.f32 v25, v57;
	[tilespmem:s2+$0x0] =	vst v12;
	v51 =	vld [tilespmem:s5+$0xFFFFFFE0]  }
0x13a: {  	v27 =	vmul.f32 v58, v53;
	[tilespmem:s4+$0x0] =	vst v48;
	v12 =	vmul.f32 v15, v45  }
0x13b: {  	v4 =	vmul.f32 v14, v4;
	v44 =	vmul.f32 v38, v59;
	[tilespmem:s6+$0x0] =	vst v25  }
0x13c: {  	v37 =	vmul.f32 v60, v36;
	v27 =	vsub.f32 $1.500000000e+00, v27;
	s2 =	rddreg [dreg:$0x4];
	v52 =	vmul.f32 v3, v49;
	[tilespmem:s4+$0xFFFFFFF0] =	vst v12  }
0x13d: {  	v20 =	vsub.f32 $1.500000000e+00, v20;
	v4 =	vmul.f32 v4, v14;
	s2 =	sor.u32 s2, s23;
	s6 =	rddreg [dreg:$0x6];
	v12 =	vmul.f32 v24, v18;
	[tilespmem:s1+$0x0] =	vst v44  }
0x13e: {  	v2 =	vsub.f32 $1.500000000e+00, v2;
	v23 =	vmul.f32 v27, v53;
	v53 =	vld [tilespmem:s2+$0x0];
	[tilespmem:s4+$0x10] =	vst v52;
	v54 =	vmul.f32 v10, v51  }
0x13f: {  	v11 =	vsub.f32 $1.500000000e+00, v11;
	v34 =	vmul.f32 v63, v7;
	v19 =	vsub.f32 $1.500000000e+00, v37;
	v60 =	vld [tilespmem:s5+$0x0];
	s1 =	rddreg [dreg:$0x12];
	[tilespmem:s25+$0x0] =	vst v12  }
0x140: {  	v20 =	vmul.f32 v20, v50;
	v2 =	vmul.f32 v2, v6;
	v4 =	vsub.f32 $1.500000000e+00, v4;
	s6 =	sor.u32 s6, s23;
	[tilespmem:s5+$0xFFFFFFE0] =	vst v54  }
0x141: {  	v11 =	vmul.f32 v11, v21;
	v9 =	vmul.f32 v26, v8;
	v18 =	vld [tilespmem:s6+$0x0];
	s3 =	rddreg [dreg:$0x11]  }
0x142: {  	v62 =	vsub.f32 $1.500000000e+00, v43;
	v6 =	vmul.f32 v19, v36;
	v4 =	vmul.f32 v4, v14;
	[tilespmem:s3+$0x0] =	vst v2  }
0x143: {  	s26 =	sor.u32 s14, s23;
	v19 =	vsub.f32 $1.500000000e+00, v30;
	v9 =	vmul.f32 v9, v26;
	v14 =	vmul.f32 v16, v53;
	s3 =	rddreg [dreg:$0x15]  }
0x144: {  	v58 =	vmul.f32 v6, v33;
	v22 =	vmul.f32 v1, v60;
	v56 =	vld [tilespmem:s26+$0x0];
	s1 =	sor.u32 s1, s20;
	[tilespmem:s3+$0x0] =	vst v4  }
0x145: {  	v63 =	vmul.f32 v31, v62;
	v13 =	vmul.f32 v19, v13;
	v9 =	vsub.f32 $1.500000000e+00, v9;
	v12 =	vld [tilespmem:s1+$0x0];
	s3 =	rddreg [dreg:$0x1c];
	[tilespmem:s2+$0x0] =	vst v14  }
0x146: {  	v19 =	vmul.f32 v58, v6;
	v15 =	vmul.f32 v15, v18;
	v18 =	vld [tilespmem:s5+$0xFFFFFFF0];
	[tilespmem:s5+$0x0] =	vst v22  }
0x147: {  	v5 =	vmul.f32 v13, v5;
	v9 =	vmul.f32 v9, v26;
	v59 =	vld [tilespmem:s5+$0x10];
	[tilespmem:s3+$0x0] =	vst v20  }
0x148: {  	v55 =	vmul.f32 v23, v29;
	v57 =	vmul.f32 v63, v35;
	s2 =	rddreg [dreg:$0x9]  }
0x149: {  	v8 =	vmul.f32 v9, v8;
	v3 =	vmul.f32 v3, v56;
	s2 =	sor.u32 s2, s20  }
0x14a: {  	v16 =	vmul.f32 v55, v23;
	v10 =	vmul.f32 v10, v12;
	s3 =	rddreg [dreg:$0x1b];
	[tilespmem:s6+$0x0] =	vst v15;
	v12 =	vld [tilespmem:s2+$0x0]  }
0x14b: {  	v14 =	vmul.f32 v57, v63;
	[tilespmem:s26+$0x0] =	vst v3;
	v18 =	vmul.f32 v2, v18  }
0x14c: {  	v16 =	vsub.f32 $1.500000000e+00, v16;
	v15 =	vsub.f32 $1.500000000e+00, v34;
	[tilespmem:s3+$0x0] =	vst v11;
	v3 =	vmul.f32 v4, v59  }
0x14d: {  	v5 =	vmul.f32 v5, v13;
	v8 =	vmul.f32 v8, v9;
	v14 =	vsub.f32 $1.500000000e+00, v14;
	[tilespmem:s5+$0xFFFFFFF0] =	vst v18  }
0x14e: {  	v16 =	vmul.f32 v16, v23;
	v7 =	vmul.f32 v15, v7;
	s3 =	rddreg [dreg:$0x7];
	[tilespmem:s5+$0x10] =	vst v3;
	v3 =	vsub.f32 $1.500000000e+00, v19  }
0x14f: {  	v14 =	vmul.f32 v14, v63;
	s3 =	sor.u32 s3, s20;
	s4 =	rddreg [dreg:$0xe];
	[tilespmem:s1+$0x0] =	vst v10;
	v1 =	vmul.f32 v1, v12  }
0x150: {  	v5 =	vsub.f32 $1.500000000e+00, v5;
	[tilespmem:s29+$0x0] =	vst v16;
	s4 =	sor.u32 s4, s20;
	v15 =	vld [tilespmem:s3+$0x0];
	v3 =	vmul.f32 v3, v6  }
0x151: {  	v12 =	vmul.f32 v7, v17;
	v6 =	vsub.f32 $1.500000000e+00, v8;
	v8 =	vmul.f32 v14, v35;
	v10 =	vld [tilespmem:s4+$0x0];
	[tilespmem:s2+$0x0] =	vst v1  }
0x152: {  	v1 =	vmul.f32 v5, v13;
	[tilespmem:s30+$0x0] =	vst v3  }
0x153: {  	v5 =	vmul.f32 v12, v7;
	v8 =	vmul.f32 v8, v14;
	s1 =	rddreg [dreg:$0x18]  }
0x154: {  	v12 =	vld [tilespmem:s16+$0xFFFFFFE0];
	v6 =	vmul.f32 v6, v9;
	[tilespmem:s1+$0x0] =	vst v1  }
0x155: {  	v9 =	vld [tilespmem:s16+$0x0];
	v5 =	vsub.f32 $1.500000000e+00, v5;
	v8 =	vsub.f32 $1.500000000e+00, v8;
	v2 =	vmul.f32 v2, v15;
	s1 =	rddreg [dreg:$0x16]  }
0x156: {  	[tilespmem:s1+$0x0] =	vst v6;
	v4 =	vmul.f32 v4, v10;
	v10 =	vld [tilespmem:s16+$0xFFFFFFF0]  }
0x157: {  	v5 =	vmul.f32 v5, v7;
	v7 =	vmul.f32 v8, v14;
	[tilespmem:s3+$0x0] =	vst v2;
	v2 =	vld [tilespmem:s16+$0x10]  }
0x158: {  	s30 =	sadd.s32 $0x40, s16;
	[tilespmem:s4+$0x0] =	vst v4  }
0x159: {  	v12 =	vmul.f32 v11, v12;
	v4 =	vld [tilespmem:s30+$0xFFFFFFE0];
	s2 =	rddreg [dreg:$0x1f];
	[tilespmem:s31+$0x0] =	vst v7  }
0x15a: {  	v8 =	vld [tilespmem:s30+$0x0];
	v9 =	vmul.f32 v20, v9;
	[tilespmem:s2+$0x0] =	vst v5  }
0x15b: {  	s2 =	rddreg [dreg:$0xf];
	[tilespmem:s16+$0xFFFFFFE0] =	vst v12;
	v10 =	vmul.f32 v1, v10  }
0x15c: {  	[tilespmem:s16+$0x0] =	vst v9;
	v2 =	vmul.f32 v6, v2  }
0x15d: {  	v13 =	vld [tilespmem:s30+$0xFFFFFFF0];
	s3 =	rddreg [dreg:$0xa];
	[tilespmem:s16+$0xFFFFFFF0] =	vst v10  }
0x15e: {  	v12 =	vld [tilespmem:s30+$0x10];
	s2 =	sor.u32 s2, s15;
	v4 =	vmul.f32 v3, v4;
	s4 =	rddreg [dreg:$0xc];
	[tilespmem:s16+$0x10] =	vst v2  }
0x15f: {  	v9 =	vld [tilespmem:s2+$0x0];
	s3 =	sor.u32 s3, s15;
	v2 =	vmul.f32 v16, v8;
	s5 =	rddreg [dreg:$0x10]  }
0x160: {  	v14 =	vld [tilespmem:s3+$0x0];
	s4 =	sor.u32 s4, s15;
	s6 =	rddreg [dreg:$0x1e];
	[tilespmem:s30+$0xFFFFFFE0] =	vst v4  }
0x161: {  	s5 =	sor.u32 s5, s15;
	v8 =	vld [tilespmem:s4+$0x0];
	[tilespmem:s30+$0x0] =	vst v2  }
0x162: {  	s6 =	sor.u32 s6, s0;
	v4 =	vmul.f32 v5, v13;
	v10 =	vld [tilespmem:s5+$0x0];
	s7 =	rddreg [dreg:$0x1a]  }
0x163: {  	v12 =	vmul.f32 v7, v12;
	v2 =	vld [tilespmem:s6+$0x0];
	s7 =	sor.u32 s7, s0  }
0x164: {  	s8 =	sor.u32 s24, s0;
	v9 =	vmul.f32 v11, v9;
	[tilespmem:s30+$0xFFFFFFF0] =	vst v4;
	v11 =	vld [tilespmem:s7+$0x0]  }
0x165: {  	s31 =	sor.u32 s28, s0;
	[tilespmem:s30+$0x10] =	vst v12;
	v4 =	vmul.f32 v20, v14;
	v12 =	vld [tilespmem:s8+$0x0]  }
0x166: {  	[tilespmem:s2+$0x0] =	vst v9;
	v1 =	vmul.f32 v1, v8;
	v8 =	vld [tilespmem:s31+$0x0]  }
0x167: {  	[tilespmem:s3+$0x0] =	vst v4;
	v4 =	vmul.f32 v6, v10  }
0x168: {  	[tilespmem:s4+$0x0] =	vst v1;
	v1 =	vmul.f32 v3, v2  }
0x169: {  	[tilespmem:s5+$0x0] =	vst v4;
	v2 =	vmul.f32 v16, v11  }
0x16a: {  	[tilespmem:s6+$0x0] =	vst v1;
	v1 =	vmul.f32 v5, v12  }
0x16b: {  	[tilespmem:s7+$0x0] =	vst v2;
	v2 =	vmul.f32 v7, v8  }
0x16c: {  	[tilespmem:s8+$0x0] =	vst v1  }
0x16d: {  	s0 =	simm.s32 $0x27C0;
	[tilespmem:s31+$0x0] =	vst v2  }
0x16e: {  	v1 =	vld [tilespmem:s0+$0xFFFFFFD0]  }
0x16f: {  	v3 =	vld [tilespmem:s0+$0xFFFFFFF0]  }
0x170: {  	v2 =	vld [tilespmem:s0+$0xFFFFFFE0]  }
0x171: {  	v4 =	vld [tilespmem:s0+$0x0]  }
0x172: {  	v5 =	vld [tilespmem:s0+$0x10]  }
0x173: {  	v16 =	vld [tilespmem:s0+$0x20]  }
0x174: {  	v10 =	vld [tilespmem:s0+$0x30]  }
0x175: {  	s1 =	simm.s32 $0x40;
	v8 =	vld [tilespmem:s0+$0xFFFFFFC0]  }
0x176: {  	v9 =	vld [tilespmem:s1+$0xFFFFFFC0]  }
0x177: {  	v11 =	vld [tilespmem:s1+$0x30]  }
0x178: {  	v12 =	vld [tilespmem:s1+$0x20]  }
0x179: {  	v13 =	vld [tilespmem:s1+$0x10]  }
0x17a: {  	v14 =	vld [tilespmem:s1+$0x0]  }
0x17b: {  	v17 =	vld [tilespmem:s1+$0xFFFFFFF0]  }
0x17c: {  	v7 =	vld [tilespmem:s1+$0xFFFFFFE0]  }
0x17d: {  	s5 =	simm.s32 $0x9D80;
	v6 =	vld [tilespmem:s1+$0xFFFFFFD0]  }
0x17e: {  	v15 =	vadd.s32 $0x2780, v9;
	v19 =	vld.idx.msk [tilespmem:v9+s5+$0x0], $0xffff  }
0x17f: {  	v18 =	vadd.s32 $0x2780, v11;
	v11 =	vld.idx.msk [tilespmem:v11+s5+$0x0], $0xffff  }
0x180: {  	v60 =	vadd.s32 $0x2780, v12;
	v61 =	vld.idx.msk [tilespmem:v12+s5+$0x0], $0xffff  }
0x181: {  	v9 =	vld.idx.msk [tilespmem:v13+s5+$0x0], $0xffff  }
0x182: {  	v12 =	vld.idx.msk [tilespmem:v14+s5+$0x0], $0xffff  }
0x183: {  	v22 =	vld.idx.msk [tilespmem:v15+s5+$0x0], $0xffff  }
0x184: {  	v18 =	vld.idx.msk [tilespmem:v18+s5+$0x0], $0xffff  }
0x185: {  	s6 =	simm.s32 $0xEC80;
	v63 =	vadd.s32 $0x2780, v13;
	v15 =	vld.idx.msk [tilespmem:v60+s5+$0x0], $0xffff  }
0x186: {  	v62 =	vadd.s32 $0x2780, v8;
	[tilespmem:v8+s6+$0x0] =	vst.idx.add.f32.msk $0xffff, v19  }
0x187: {  	p1 =	por $0x1, $0x1;
	v19 =	vadd.s32 $0x2780, v10;
	v8 =	vld.idx.msk [tilespmem:v17+s5+$0x0], $0xffff  }
.Ltmp3:
0x188: {  	[tilespmem:v10+s6+$0x0] =	vst.idx.add.f32.msk $0xffff, v11;
	(pc) =	sbr.rel @!p1 .LBB2_9-.Ltmp3, $4  }
0x189: {  	[tilespmem:v16+s6+$0x0] =	vst.idx.add.f32.msk $0xffff, v61;
	v10 =	vadd.s32 $0x2780, v14;
	v14 =	vadd.s32 $0x2780, v17;
	v17 =	vadd.s32 $0x2780, v16  }
0x18a: {  	v16 =	vld.idx.msk [tilespmem:v63+s5+$0x0], $0xffff  }
0x18b: {  	[tilespmem:v62+s6+$0x0] =	vst.idx.add.f32.msk $0xffff, v22  }
0x18c: {  	s2 =	simm.s32 $0x0;
	v13 =	vadd.s32 $0x2780, v7;
	v11 =	vadd.s32 $0x2780, v6;
	[tilespmem:v19+s6+$0x0] =	vst.idx.add.f32.msk $0xffff, v18  }
.LBB2_8:
0x18d: {  	s2 =	sadd.s32 $0x8, s2;
	v7 =	vld.idx.msk [tilespmem:v7+s5+$0x0], $0xffff;
	s1 =	sadd.s32 $0x80, s1;
	s0 =	sadd.s32 $0x80, s0  }
0x18e: {  	p1 =	slt.u32 s2, $0x268;
	[tilespmem:v17+s6+$0x0] =	vst.idx.add.f32.msk $0xffff, v15  }
0x18f: {  	v15 =	vadd.s32 $0x2780, v5;
	v14 =	vld.idx.msk [tilespmem:v14+s5+$0x0], $0xffff  }
0x190: {  	[tilespmem:v5+s6+$0x0] =	vst.idx.add.f32.msk $0xffff, v9  }
0x191: {  	v5 =	vld.idx.msk [tilespmem:v10+s5+$0x0], $0xffff  }
0x192: {  	[tilespmem:v4+s6+$0x0] =	vst.idx.add.f32.msk $0xffff, v12  }
0x193: {  	v9 =	vld.idx.msk [tilespmem:v13+s5+$0x0], $0xffff  }
0x194: {  	v10 =	vadd.s32 $0x2780, v2;
	[tilespmem:v15+s6+$0x0] =	vst.idx.add.f32.msk $0xffff, v16  }
0x195: {  	v4 =	vadd.s32 $0x2780, v4;
	v11 =	vld.idx.msk [tilespmem:v11+s5+$0x0], $0xffff  }
0x196: {  	v12 =	vadd.s32 $0x2780, v3;
	v6 =	vld.idx.msk [tilespmem:v6+s5+$0x0], $0xffff  }
0x197: {  	v13 =	vadd.s32 $0x2780, v1;
	[tilespmem:v3+s6+$0x0] =	vst.idx.add.f32.msk $0xffff, v8  }
0x198: {  	[tilespmem:v2+s6+$0x0] =	vst.idx.add.f32.msk $0xffff, v7  }
0x199: {  	[tilespmem:v10+s6+$0x0] =	vst.idx.add.f32.msk $0xffff, v9  }
0x19a: {  	[tilespmem:v4+s6+$0x0] =	vst.idx.add.f32.msk $0xffff, v5  }
0x19b: {  	[tilespmem:v12+s6+$0x0] =	vst.idx.add.f32.msk $0xffff, v14  }
0x19c: {  	[tilespmem:v1+s6+$0x0] =	vst.idx.add.f32.msk $0xffff, v6  }
0x19d: {  	[tilespmem:v13+s6+$0x0] =	vst.idx.add.f32.msk $0xffff, v11  }
0x19e: {  	v1 =	vld [tilespmem:s0+$0xFFFFFFD0]  }
0x19f: {  	v3 =	vld [tilespmem:s0+$0xFFFFFFF0]  }
0x1a0: {  	v2 =	vld [tilespmem:s0+$0xFFFFFFE0]  }
0x1a1: {  	v4 =	vld [tilespmem:s0+$0x0]  }
0x1a2: {  	v5 =	vld [tilespmem:s0+$0x10]  }
0x1a3: {  	v16 =	vld [tilespmem:s0+$0x20]  }
0x1a4: {  	v17 =	vld [tilespmem:s0+$0x30]  }
0x1a5: {  	v8 =	vld [tilespmem:s0+$0xFFFFFFC0]  }
0x1a6: {  	v9 =	vld [tilespmem:s1+$0xFFFFFFC0]  }
0x1a7: {  	v11 =	vld [tilespmem:s1+$0x30]  }
0x1a8: {  	v12 =	vld [tilespmem:s1+$0x20]  }
0x1a9: {  	v15 =	vld [tilespmem:s1+$0x10]  }
0x1aa: {  	v18 =	vld [tilespmem:s1+$0x0]  }
0x1ab: {  	v13 =	vadd.s32 $0x2780, v9;
	v19 =	vld [tilespmem:s1+$0xFFFFFFF0]  }
0x1ac: {  	v7 =	vld [tilespmem:s1+$0xFFFFFFE0];
	v20 =	vadd.s32 $0x2780, v11  }
0x1ad: {  	v6 =	vld [tilespmem:s1+$0xFFFFFFD0];
	v21 =	vadd.s32 $0x2780, v12  }
0x1ae: {  	v22 =	vld.idx.msk [tilespmem:v9+s5+$0x0], $0xffff;
	v23 =	vadd.s32 $0x2780, v15  }
0x1af: {  	v10 =	vadd.s32 $0x2780, v18;
	v24 =	vld.idx.msk [tilespmem:v11+s5+$0x0], $0xffff  }
0x1b0: {  	v14 =	vadd.s32 $0x2780, v19;
	v25 =	vld.idx.msk [tilespmem:v12+s5+$0x0], $0xffff  }
0x1b1: {  	v26 =	vld.idx.msk [tilespmem:v13+s5+$0x0], $0xffff;
	v13 =	vadd.s32 $0x2780, v7  }
0x1b2: {  	v11 =	vadd.s32 $0x2780, v6;
	v9 =	vld.idx.msk [tilespmem:v15+s5+$0x0], $0xffff  }
0x1b3: {  	v20 =	vld.idx.msk [tilespmem:v20+s5+$0x0], $0xffff  }
0x1b4: {  	v27 =	vadd.s32 $0x2780, v8;
	v12 =	vld.idx.msk [tilespmem:v18+s5+$0x0], $0xffff  }
0x1b5: {  	v15 =	vld.idx.msk [tilespmem:v21+s5+$0x0], $0xffff  }
0x1b6: {  	v18 =	vadd.s32 $0x2780, v17;
	[tilespmem:v8+s6+$0x0] =	vst.idx.add.f32.msk $0xffff, v22  }
0x1b7: {  	v8 =	vld.idx.msk [tilespmem:v19+s5+$0x0], $0xffff  }
.Ltmp4:
0x1b8: {  	[tilespmem:v17+s6+$0x0] =	vst.idx.add.f32.msk $0xffff, v24;
	(pc) =	sbr.rel @p1 .LBB2_8-.Ltmp4, $4  }
0x1b9: {  	v17 =	vadd.s32 $0x2780, v16;
	[tilespmem:v27+s6+$0x0] =	vst.idx.add.f32.msk $0xffff, v26  }
0x1ba: {  	[tilespmem:v16+s6+$0x0] =	vst.idx.add.f32.msk $0xffff, v25  }
0x1bb: {  	[tilespmem:v18+s6+$0x0] =	vst.idx.add.f32.msk $0xffff, v20  }
0x1bc: {  	v16 =	vld.idx.msk [tilespmem:v23+s5+$0x0], $0xffff  }
.LBB2_9:
0x1bd: {  	_ =	sdelay $0x3  }
0x1be: {  	v7 =	vld.idx.msk [tilespmem:v7+s5+$0x0], $0xffff  }
0x1bf: {  	[tilespmem:v17+s6+$0x0] =	vst.idx.add.f32.msk $0xffff, v15  }
0x1c0: {  	v14 =	vld.idx.msk [tilespmem:v14+s5+$0x0], $0xffff  }
0x1c1: {  	[tilespmem:v5+s6+$0x0] =	vst.idx.add.f32.msk $0xffff, v9  }
0x1c2: {  	v58 =	vld.idx.msk [tilespmem:v10+s5+$0x0], $0xffff  }
0x1c3: {  	v57 =	vadd.s32 $0x2780, v5;
	[tilespmem:v4+s6+$0x0] =	vst.idx.add.f32.msk $0xffff, v12  }
0x1c4: {  	v59 =	vld.idx.msk [tilespmem:v13+s5+$0x0], $0xffff  }
0x1c5: {  	v11 =	vld.idx.msk [tilespmem:v11+s5+$0x0], $0xffff;
	v61 =	vadd.s32 $0x2780, v4  }
0x1c6: {  	v6 =	vld.idx.msk [tilespmem:v6+s5+$0x0], $0xffff;
	v62 =	vadd.s32 $0x2780, v3  }
0x1c7: {  	[tilespmem:v3+s6+$0x0] =	vst.idx.add.f32.msk $0xffff, v8  }
0x1c8: {  	v60 =	vadd.s32 $0x2780, v2;
	[tilespmem:v57+s6+$0x0] =	vst.idx.add.f32.msk $0xffff, v16  }
0x1c9: {  	v3 =	vadd.s32 $0x2780, v1;
	[tilespmem:v2+s6+$0x0] =	vst.idx.add.f32.msk $0xffff, v7  }
0x1ca: {  	[tilespmem:v61+s6+$0x0] =	vst.idx.add.f32.msk $0xffff, v58  }
0x1cb: {  	[tilespmem:v62+s6+$0x0] =	vst.idx.add.f32.msk $0xffff, v14  }
0x1cc: {  	[tilespmem:v1+s6+$0x0] =	vst.idx.add.f32.msk $0xffff, v6  }
0x1cd: {  	[tilespmem:v60+s6+$0x0] =	vst.idx.add.f32.msk $0xffff, v59  }
0x1ce: {  	[tilespmem:v3+s6+$0x0] =	vst.idx.add.f32.msk $0xffff, v11  }
0x1cf: {  	v1 =	vld [tilespmem:$0x2700];
	_ =	sdelay $0x4  }
0x1d0: {  	v2 =	vld [tilespmem:$0x4E80];
	v3 =	vadd.s32 $0x2780, v1;
	_ =	sdelay $0x3  }
0x1d1: {  	v1 =	vld.idx.msk [tilespmem:v1+s5+$0x0], $0xffff  }
0x1d2: {  	v63 =	vadd.s32 $0x2780, v2;
	v3 =	vld.idx.msk [tilespmem:v3+s5+$0x0], $0xffff;
	_ =	sdelay $0x2  }
0x1d3: {  	s0 =	sld [smem:$0x7FA]  }
0x1d4: {  	[tilespmem:v2+s6+$0x0] =	vst.idx.add.f32.msk $0xffff, v1  }
0x1d5: {  	s1 =	simm.s32 $0x80;
	s2 =	simm.s32 $0x400;
	s4 =	simm.s32 $0x1;
	[tilespmem:v63+s6+$0x0] =	vst.idx.add.f32.msk $0xffff, v3  }
0x1d6: {  	[hbm4b:s0+s1] =	stream.strided.scatter [tilespmem:s6], [sflag:$0x1], $0x2780, s2, s1, $0x38;
	[tilespmem:$0x16678] =	vst v63  }
0x1d7: {  	_ =	swait.ge [sflag:s4], $0x2780  }
0x1d8: {  	s29 =	sld [smem:$0x7FB]  }
0x1d9: {  	[sflag:s4] =	ssyncset.done $0x0  }
0x1da: {  	s3 =	simm.s32 $0x11400;
	[sflag:s4] =	ssyncadd.s32 $0xFFFFD880  }
0x1db: {  	[hbm4b:s29+s1] =	stream.strided.scatter [tilespmem:s3], [sflag:$0x1], $0x2780, s2, s1, $0x38;
	[tilespmem:$0x16678] =	vst v63  }
0x1dc: {  	_ =	swait.ge [sflag:s4], $0x2780  }
0x1dd: {  	s2 =	sld [smem:$0x7FC]  }
0x1de: {  	[sflag:s4] =	ssyncset.done $0x0  }
0x1df: {  	s0 =	simm.s32 @!p0 $0x0;
	s1 =	simm.s32 @!p0 $0x13B80;
	[sflag:s4] =	ssyncadd.s32 $0xFFFFD880  }
0x1e0: {  	[hbm4b:s2+s0] =	stream.linear.scatter @!p0 [tilespmem:s1], [sflag:$0x1], $0x2780, $0x38;
	[tilespmem:$0x16678] =	vst v63  }
0x1e1: {  	s0 =	simm.s32 @!p0 $0x1  }
0x1e2: {  	_ =	swait.ge @!p0 [sflag:s0], $0x2780  }
0x1e3: {  	s30 =	sld [smem:$0x7F2]  }
0x1e4: {  	s31 =	sld [smem:$0x7FD];
	_ =	sdelay $0x1  }
0x1e5: {  	s2 =	sadd.s32 $0x1, s30  }
0x1e6: {  	p1 =	sne.s32 s2, s31  }
.Ltmp5:
0x1e7: {  	_ = 	snop;
	(pc) =	sbr.rel @p1 .LBB2_1-.Ltmp5, $3  }
0x1e8: {  	_ =	sdelay $0x1  }
0x1e9: {  	[sflag:s0] =	ssyncset.done @!p0 $0x0  }
0x1ea: {  	s7 =	simm.s32 $0x13B80;
	[sflag:s0] =	ssyncadd.s32 @!p0 $0xFFFFD880  }
0x1eb: {  	_ =	sfence.sel $0x180000  }
0x1ec: {  	[bflag:$0x0] =	sbarrier.arrive $0xFFFF  }
0x1ed: {  	_ =	strace $0x90000047  }
0x1ee: {  	[bflag:$0x2] =	sbarrier.arrive $0xFFFF  }
0x1ef: {  	s0 =	rddreg [dreg:$0x3]  }
0x1f0: {  	s0 =	sadd.s32 @!p0 $0x100000, s0  }
0x1f1: {  	[sflag:s0] =	ssyncadd.tile.s32 @!p0 $0x1;
	_ =	shalt  }
.Lfunc_end2:
_tile_overlayer_lowered:
.L_overlay_start_2:
0x1f2: {  	(tag) =	ssettag $0x2  }
0x1f3: {  	s0 =	rddreg [dreg:$0x0];
	s2 =	stileid.u32  }
0x1f4: {  	s1 =	rddreg [dreg:$0x1];
	p0 =	sne.s32 s2, $0x0  }
0x1f5: {  	s3 =	rddreg [dreg:$0x2];
	[bflag:$0x3] =	sbarrier.arrive $0xFFFF;
	s2 =	simm.s32 @!p0 $0x1C01  }
0x1f6: {  	[timem:s3], [sflag:s2] =	dma.local @!p0 [hbm:s0], s1  }
0x1f7: {  	s0 =	simm.s32 @!p0 $0x1  }
0x1f8: {  	_ =	swait.ge @!p0 [sflag:s0], s1  }
0x1f9: {  	s1 =	ssub.s32 @!p0 $0x0, s1;
	[sflag:s0] =	ssyncset.done @!p0 $0x0  }
0x1fa: {  	[sflag:s0] =	ssyncadd.s32 @!p0 s1  }
0x1fb: {  	[bflag:$0x3] =	sbarrier.arrive $0xFFFF  }
0x1fc: {  	_ =	shalt  }

</sc_bundles>
